<compile_context>
chip_gen: v7x
topology: tpu7x:2x2x1
jax: 0.10.2.dev20260603
libtpu: 0.0.44.dev20260713+nightly
codegen_flags: <defaults>
</compile_context>

<pallas_src>
import jax
import jax.numpy as jnp
from jax import lax
from jax.experimental import pallas as pl
from jax.experimental.pallas import tpu as pltpu
from jax.experimental.pallas import tpu_sc as plsc

_D = 128
_NC = 2
_NS = 16
_NW = _NC * _NS

_N_PAD = 10240
_ROWS = _N_PAD // 128
_CHUNK = 128
_EDGE_CHUNKS = 79
_TILE_E = _CHUNK * _EDGE_CHUNKS
_E_PAD = _TILE_E * _NW
_RPT = _N_PAD // _NS


def _sc_mesh():
    return plsc.VectorSubcoreMesh(core_axis_name="c", subcore_axis_name="s")


def _deg_body(dst_hbm, deg_hbm, idx_v, onerows, acc):
    c = lax.axis_index("c")
    s = lax.axis_index("s")
    wid = c * _NS + s
    zero16 = jnp.zeros((16,), jnp.float32)
    ones16 = jnp.ones((16,), jnp.float32)

    def zfill(i, carry):
        onerows[i // 8, pl.ds((i % 8) * 16, 16)] = zero16
        return carry

    lax.fori_loop(0, _CHUNK * 8, zfill, 0)
    for k in range(_RPT // _CHUNK):
        pltpu.sync_copy(onerows, acc.at[pl.ds(s * _RPT + k * _CHUNK, _CHUNK)])

    def ofill(i, carry):
        onerows[i // 8, pl.ds((i % 8) * 16, 16)] = ones16
        return carry

    lax.fori_loop(0, _CHUNK * 8, ofill, 0)
    plsc.subcore_barrier()

    def chunk_body(ci, carry):
        base = wid * _TILE_E + ci * _CHUNK
        pltpu.sync_copy(dst_hbm.at[pl.ds(base, _CHUNK)], idx_v)
        pltpu.sync_copy(onerows, acc.at[idx_v], add=True)
        return carry

    lax.fori_loop(0, _EDGE_CHUNKS, chunk_body, 0)
    plsc.subcore_barrier()
    pltpu.sync_copy(acc.at[pl.ds(s * _RPT, _RPT)],
                    deg_hbm.at[c, pl.ds(s * _RPT, _RPT)])


def _deg_call(dst_pad):
    return pl.kernel(
        _deg_body,
        out_type=jax.ShapeDtypeStruct((_NC, _N_PAD, _D), jnp.float32),
        mesh=_sc_mesh(),
        scratch_types=[
            pltpu.VMEM((_CHUNK,), jnp.int32),
            pltpu.VMEM((_CHUNK, _D), jnp.float32),
            pltpu.VMEM_SHARED((_N_PAD, _D), jnp.float32),
        ],
    )(dst_pad)


def _agg_body(src_hbm, dst_hbm, y_hbm, out_hbm, idx_s, idx_d, rows, sem, acc):
    c = lax.axis_index("c")
    s = lax.axis_index("s")
    wid = c * _NS + s
    zero16 = jnp.zeros((16,), jnp.float32)

    def zr(i, carry):
        rows[i // 8, pl.ds((i % 8) * 16, 16)] = zero16
        return carry

    lax.fori_loop(0, _CHUNK * 8, zr, 0)
    for k in range(_RPT // _CHUNK):
        pltpu.sync_copy(rows, acc.at[pl.ds(s * _RPT + k * _CHUNK, _CHUNK)])
    plsc.subcore_barrier()

    def chunk_body(ci, carry):
        base = wid * _TILE_E + ci * _CHUNK
        pltpu.sync_copy(src_hbm.at[pl.ds(base, _CHUNK)], idx_s)
        pltpu.sync_copy(dst_hbm.at[pl.ds(base, _CHUNK)], idx_d)
        pltpu.async_copy(y_hbm.at[idx_s], rows, sem).wait()
        pltpu.sync_copy(rows, acc.at[idx_d], add=True)
        return carry

    lax.fori_loop(0, _EDGE_CHUNKS, chunk_body, 0)
    plsc.subcore_barrier()
    pltpu.sync_copy(acc.at[pl.ds(s * _RPT, _RPT)],
                    out_hbm.at[c, pl.ds(s * _RPT, _RPT)])


def _agg_call(src_pad, dst_pad, y):
    return pl.kernel(
        _agg_body,
        out_type=jax.ShapeDtypeStruct((_NC, _N_PAD, _D), jnp.float32),
        mesh=_sc_mesh(),
        scratch_types=[
            pltpu.VMEM((_CHUNK,), jnp.int32),
            pltpu.VMEM((_CHUNK,), jnp.int32),
            pltpu.VMEM((_CHUNK, _D), jnp.float32),
            pltpu.SemaphoreType.DMA,
            pltpu.VMEM_SHARED((_N_PAD, _D), jnp.float32),
        ],
    )(src_pad, dst_pad, y)


def _tca_body(degp_ref, x_ref, w_ref, y_ref, dinv_ref):
    deg = degp_ref[0, :, 0:1] + degp_ref[1, :, 0:1] + 1.0
    dinv = lax.rsqrt(deg)
    xw = jnp.dot(x_ref[...], w_ref[...], preferred_element_type=jnp.float32)
    y_ref[...] = xw * dinv
    dinv_ref[...] = dinv


def _tca_call(degp, x_pad, w1):
    return pl.pallas_call(
        _tca_body,
        grid=(_ROWS,),
        in_specs=[
            pl.BlockSpec((_NC, 128, _D), lambda i: (0, i, 0)),
            pl.BlockSpec((128, _D), lambda i: (i, 0)),
            pl.BlockSpec((_D, _D), lambda i: (0, 0)),
        ],
        out_specs=[
            pl.BlockSpec((128, _D), lambda i: (i, 0)),
            pl.BlockSpec((128, 1), lambda i: (i, 0)),
        ],
        out_shape=[
            jax.ShapeDtypeStruct((_N_PAD, _D), jnp.float32),
            jax.ShapeDtypeStruct((_N_PAD, 1), jnp.float32),
        ],
    )(degp, x_pad, w1)


def _tcb_body(a_ref, y1_ref, dinv_ref, b_ref, w_ref, y2_ref):
    t = (a_ref[0] + a_ref[1] + y1_ref[...]) * dinv_ref[...] + b_ref[...]
    t = jnp.maximum(t, 0.0)
    y2_ref[...] = jnp.dot(t, w_ref[...],
                          preferred_element_type=jnp.float32) * dinv_ref[...]


def _tcb_call(a1, y1, dinv, b1, w2):
    return pl.pallas_call(
        _tcb_body,
        grid=(_ROWS,),
        in_specs=[
            pl.BlockSpec((_NC, 128, _D), lambda i: (0, i, 0)),
            pl.BlockSpec((128, _D), lambda i: (i, 0)),
            pl.BlockSpec((128, 1), lambda i: (i, 0)),
            pl.BlockSpec((1, _D), lambda i: (0, 0)),
            pl.BlockSpec((_D, _D), lambda i: (0, 0)),
        ],
        out_specs=pl.BlockSpec((128, _D), lambda i: (i, 0)),
        out_shape=jax.ShapeDtypeStruct((_N_PAD, _D), jnp.float32),
    )(a1, y1, dinv, b1, w2)


def _tcc_body(a_ref, y2_ref, dinv_ref, b_ref, o_ref):
    t = (a_ref[0] + a_ref[1] + y2_ref[...]) * dinv_ref[...] + b_ref[...]
    o_ref[...] = jnp.maximum(t, 0.0)


def _tcc_call(a2, y2, dinv, b2):
    return pl.pallas_call(
        _tcc_body,
        grid=(_ROWS,),
        in_specs=[
            pl.BlockSpec((_NC, 128, _D), lambda i: (0, i, 0)),
            pl.BlockSpec((128, _D), lambda i: (i, 0)),
            pl.BlockSpec((128, 1), lambda i: (i, 0)),
            pl.BlockSpec((1, _D), lambda i: (0, 0)),
        ],
        out_specs=pl.BlockSpec((128, _D), lambda i: (i, 0)),
        out_shape=jax.ShapeDtypeStruct((_N_PAD, _D), jnp.float32),
    )(a2, y2, dinv, b2)


def kernel(x, edge_index, W1, b1, W2, b2):
    src = edge_index[0]
    dst = edge_index[1]
    n_fill = _E_PAD - src.shape[0]
    fill = jnp.full((n_fill,), _N_PAD - 1, dtype=jnp.int32)
    src_p = jnp.concatenate([src, fill])
    dst_p = jnp.concatenate([dst, fill])
    x_p = jnp.pad(x, ((0, _N_PAD - x.shape[0]), (0, 0)))

    degp = _deg_call(dst_p)
    y1, dinv = _tca_call(degp, x_p, W1)
    a1 = _agg_call(src_p, dst_p, y1)
    y2 = _tcb_call(a1, y1, dinv, b1.reshape(1, _D), W2)
    a2 = _agg_call(src_p, dst_p, y2)
    out = _tcc_call(a2, y2, dinv, b2.reshape(1, _D))
    return out[: x.shape[0]]

# --- scband reference (transcript-rebuilt; emitter-appended) ---
"""Pipeline reference for scband-grnn-25881472926277 (READ-ONLY COPY).

The authoritative reference and input builder live on the scoring server;
editing this copy changes nothing except your own understanding.
"""

import jax, jax.numpy as jnp
import numpy as np

N = 10000
E = 320000
D_IN = 128
D_H = 128


def setup_inputs(seed: int = 0) -> dict:
    key = jax.random.key(seed)
    k1, k2, k3, k4, k5, k6 = jax.random.split(key, 6)
    x = jax.random.normal(k1, (N, D_IN), dtype=jnp.float32)
    edge_index = jax.random.randint(k2, (2, E), 0, N, dtype=jnp.int32)
    # GCNConv learned parameters (glorot-style init for weights, zeros for bias)
    W1 = jax.random.normal(k3, (D_IN, D_H), dtype=jnp.float32) * (1.0 / np.sqrt(D_IN))
    b1 = jnp.zeros((D_H,), dtype=jnp.float32)
    W2 = jax.random.normal(k4, (D_H, D_H), dtype=jnp.float32) * (1.0 / np.sqrt(D_H))
    b2 = jnp.zeros((D_H,), dtype=jnp.float32)
    return {"x": x, "edge_index": edge_index, "W1": W1, "b1": b1, "W2": W2, "b2": b2}


def _gcn_conv(x, edge_index, W, b):
    # GCNConv: out = D^{-1/2} (A + I) D^{-1/2} X W + b (with added self-loops)
    src = edge_index[0]
    dst = edge_index[1]
    loop = jnp.arange(N, dtype=src.dtype)
    src = jnp.concatenate([src, loop])
    dst = jnp.concatenate([dst, loop])
    deg = jnp.zeros((N,), dtype=x.dtype).at[dst].add(jnp.ones_like(dst, dtype=x.dtype))
    dinv = jax.lax.rsqrt(jnp.maximum(deg, 1e-12))
    norm = dinv[src] * dinv[dst]
    xw = x @ W
    msg = jnp.take(xw, src, axis=0) * norm[:, None]
    out = jnp.zeros((N, W.shape[1]), dtype=x.dtype).at[dst].add(msg)
    return out + b


def reference(x, edge_index, W1, b1, W2, b2):
    h = jax.nn.relu(_gcn_conv(x, edge_index, W1, b1))
    h = jax.nn.relu(_gcn_conv(h, edge_index, W2, b2))
    # global_mean_pool with batch = arange(N): each node is its own graph
    seg = jnp.arange(N, dtype=jnp.int32)
    summed = jax.ops.segment_sum(h, seg, num_segments=N)
    counts = jax.ops.segment_sum(jnp.ones((N,), dtype=h.dtype), seg, num_segments=N)
    pooled = summed / jnp.maximum(counts, 1.0)[:, None]
    return pooled

if __name__ == "__main__":
    import jax
    _d = setup_inputs()
    print(jax.jit(kernel)(*tuple(_d.values())))

</pallas_src>

<mosaic_0001>
#map = affine_map<(d0, d1) -> (0)>
#map1 = affine_map<(d0, d1) -> (0, 0)>
#map2 = affine_map<(d0, d1) -> (0, 0, 0)>
module attributes {stable_mosaic.version = 14 : i64} {
  func.func @_agg_body(%arg0: i32, %arg1: i32, %arg2: memref<323584xi32, #tpu.memory_space<hbm>>, %arg3: memref<323584xi32, #tpu.memory_space<hbm>>, %arg4: memref<10240x128xf32, #tpu.memory_space<hbm>>, %arg5: memref<2x10240x128xf32, #tpu.memory_space<hbm>>, %arg6: memref<128xi32, #tpu.memory_space<vmem>>, %arg7: memref<128xi32, #tpu.memory_space<vmem>>, %arg8: memref<128x128xf32, #tpu.memory_space<vmem>>, %arg9: memref<!tpu.dma_semaphore, #tpu.memory_space<semaphore_mem>>, %arg10: memref<10240x128xf32, #tpu.memory_space<vmem_shared>>) attributes {dimension_semantics = [#tpu.dimension_semantics<core_parallel>, #tpu.dimension_semantics<subcore_parallel>], iteration_bounds = array<i64: 2, 16>, scalar_prefetch = 0 : i64, scratch_operands = 5 : i64, tpu.core_type = #tpu.core_type<sc_vector_subcore>, window_params = [{transform_indices = #map}, {transform_indices = #map}, {transform_indices = #map1}, {transform_indices = #map2}]} {
    %mul3A = arith.constant 16 : i32
    %mul3A_0 = arith.muli %arg0, %mul3A : i32
    %add3A = arith.addi %mul3A_0, %arg1 : i32
    %broadcast_in_dim3A = arith.constant 0.000000e+00 : f32
    %broadcast_in_dim3A_1 = vector.broadcast %broadcast_in_dim3A : f32 to vector<16xf32>
    %scan3A = arith.constant 0 : i32
    %scan3A_2 = arith.constant 0 : i32
    %scan3A_3 = arith.constant 1024 : i32
    %scan3A_4 = arith.addi %scan3A_2, %scan3A_3 : i32
    %scan3A_5 = arith.constant 1 : i32
    scf.for %scan3A_38 = %scan3A_2 to %scan3A_4 step %scan3A_5  : i32 {
      %jit3A = arith.constant 8 : i32
      %div3A = arith.divsi %scan3A_38, %jit3A : i32
      %sign3A = arith.constant 0 : i32
      %sign3A_39 = arith.cmpi sgt, %scan3A_38, %sign3A : i32
      %sign3A_40 = arith.extui %sign3A_39 : i1 to i32
      %sign3A_41 = arith.constant 0 : i32
      %sign3A_42 = arith.cmpi slt, %scan3A_38, %sign3A_41 : i32
      %sign3A_43 = arith.extui %sign3A_42 : i1 to i32
      %sign3A_44 = arith.subi %sign3A_40, %sign3A_43 : i32
      %sign3A_45 = arith.constant 0 : i32
      %sign3A_46 = arith.cmpi sgt, %jit3A, %sign3A_45 : i32
      %sign3A_47 = arith.extui %sign3A_46 : i1 to i32
      %sign3A_48 = arith.constant 0 : i32
      %sign3A_49 = arith.cmpi slt, %jit3A, %sign3A_48 : i32
      %sign3A_50 = arith.extui %sign3A_49 : i1 to i32
      %sign3A_51 = arith.subi %sign3A_47, %sign3A_50 : i32
      %ne3A = arith.cmpi ne, %sign3A_44, %sign3A_51 : i32
      %rem3A = arith.remsi %scan3A_38, %jit3A : i32
      %ne3A_52 = arith.constant 0 : i32
      %ne3A_53 = arith.cmpi ne, %rem3A, %ne3A_52 : i32
      %and3A = arith.andi %ne3A, %ne3A_53 : i1
      %sub3A = arith.constant 1 : i32
      %sub3A_54 = arith.subi %div3A, %sub3A : i32
      %select_n3A = arith.select %and3A, %sub3A_54, %div3A : i32
      %jit3A_55 = arith.constant 8 : i32
      %eq3A = arith.constant 0 : i32
      %eq3A_56 = arith.cmpi eq, %jit3A_55, %eq3A : i32
      %jit3A_57 = arith.constant 1 : i32
      %select_n3A_58 = arith.select %eq3A_56, %jit3A_57, %jit3A_55 : i32
      %rem3A_59 = arith.remsi %scan3A_38, %select_n3A_58 : i32
      %ne3A_60 = arith.constant 0 : i32
      %ne3A_61 = arith.cmpi ne, %rem3A_59, %ne3A_60 : i32
      %lt3A = arith.constant 0 : i32
      %lt3A_62 = arith.cmpi slt, %rem3A_59, %lt3A : i32
      %lt3A_63 = arith.constant 0 : i32
      %lt3A_64 = arith.cmpi slt, %select_n3A_58, %lt3A_63 : i32
      %ne3A_65 = arith.xori %lt3A_62, %lt3A_64 : i1
      %and3A_66 = arith.andi %ne3A_65, %ne3A_61 : i1
      %add3A_67 = arith.addi %rem3A_59, %select_n3A_58 : i32
      %select_n3A_68 = arith.select %and3A_66, %add3A_67, %rem3A_59 : i32
      %mul3A_69 = arith.constant 16 : i32
      %mul3A_70 = arith.muli %select_n3A_68, %mul3A_69 : i32
      %swap3A = arith.index_cast %select_n3A : i32 to index
      %swap3A_71 = arith.index_cast %mul3A_70 : i32 to index
      %swap3A_72 = tpu.vector_load %arg8[%swap3A, %swap3A_71] {strides = array<i32>} : memref<128x128xf32, #tpu.memory_space<vmem>>, vector<1x16xf32>,
      %swap3A_73 = vector.shape_cast %swap3A_72 : vector<1x16xf32> to vector<16xf32>
      %swap3A_74 = vector.shape_cast %broadcast_in_dim3A_1 : vector<16xf32> to vector<1x16xf32>
      tpu.vector_store %arg8[%swap3A, %swap3A_71], %swap3A_74 {strides = array<i32>} : memref<128x128xf32, #tpu.memory_space<vmem>>, vector<1x16xf32>,
    }
    %scan3A_6 = arith.constant 1024 : i32
    %mul3A_7 = arith.constant 640 : i32
    %mul3A_8 = arith.muli %arg1, %mul3A_7 : i32
    %add3A_9 = arith.constant 0 : i32
    %add3A_10 = arith.addi %mul3A_8, %add3A_9 : i32
    "tpu.region"() ({
      %run_scoped3A = tpu.sem_alloc : memref<!tpu.dma_semaphore, #tpu.memory_space<semaphore_mem>>
      %dma_start3A = arith.constant 0 : i32
      %dma_start3A_38 = tpu.memref_slice %arg10[%add3A_10, %dma_start3A] : memref<10240x128xf32, #tpu.memory_space<vmem_shared>> -> memref<128x128xf32, #tpu.memory_space<vmem_shared>>
      %dma_start3A_39 = arith.constant 0 : i32
      %dma_start3A_40 = tpu.memref_slice %arg10[%add3A_10, %dma_start3A_39] : memref<10240x128xf32, #tpu.memory_space<vmem_shared>> -> memref<128x128xf32, #tpu.memory_space<vmem_shared>>
      tpu.enqueue_dma source(%arg8 : memref<128x128xf32, #tpu.memory_space<vmem>>) target(%dma_start3A_40 : memref<128x128xf32, #tpu.memory_space<vmem_shared>>) target_semaphore(%run_scoped3A : memref<!tpu.dma_semaphore, #tpu.memory_space<semaphore_mem>>)
      %dma_wait3A = arith.constant 0 : i32
      %dma_wait3A_41 = tpu.memref_slice %arg10[%add3A_10, %dma_wait3A] : memref<10240x128xf32, #tpu.memory_space<vmem_shared>> -> memref<128x128xf32, #tpu.memory_space<vmem_shared>>
      %dma_wait3A_42 = arith.constant 0 : i32
      %dma_wait3A_43 = tpu.memref_slice %arg10[%add3A_10, %dma_wait3A_42] : memref<10240x128xf32, #tpu.memory_space<vmem_shared>> -> memref<128x128xf32, #tpu.memory_space<vmem_shared>>
      tpu.wait_dma2 semaphore(%run_scoped3A : memref<!tpu.dma_semaphore, #tpu.memory_space<semaphore_mem>>) src(%arg8 : memref<128x128xf32, #tpu.memory_space<vmem>>) dst(%dma_wait3A_43 : memref<128x128xf32, #tpu.memory_space<vmem_shared>>)
      tpu.yield
    }) : () -> ()
    %mul3A_11 = arith.constant 640 : i32
    %mul3A_12 = arith.muli %arg1, %mul3A_11 : i32
    %add3A_13 = arith.constant 128 : i32
    %add3A_14 = arith.addi %mul3A_12, %add3A_13 : i32
    "tpu.region"() ({
      %run_scoped3A = tpu.sem_alloc : memref<!tpu.dma_semaphore, #tpu.memory_space<semaphore_mem>>
      %dma_start3A = arith.constant 0 : i32
      %dma_start3A_38 = tpu.memref_slice %arg10[%add3A_14, %dma_start3A] : memref<10240x128xf32, #tpu.memory_space<vmem_shared>> -> memref<128x128xf32, #tpu.memory_space<vmem_shared>>
      %dma_start3A_39 = arith.constant 0 : i32
      %dma_start3A_40 = tpu.memref_slice %arg10[%add3A_14, %dma_start3A_39] : memref<10240x128xf32, #tpu.memory_space<vmem_shared>> -> memref<128x128xf32, #tpu.memory_space<vmem_shared>>
      tpu.enqueue_dma source(%arg8 : memref<128x128xf32, #tpu.memory_space<vmem>>) target(%dma_start3A_40 : memref<128x128xf32, #tpu.memory_space<vmem_shared>>) target_semaphore(%run_scoped3A : memref<!tpu.dma_semaphore, #tpu.memory_space<semaphore_mem>>)
      %dma_wait3A = arith.constant 0 : i32
      %dma_wait3A_41 = tpu.memref_slice %arg10[%add3A_14, %dma_wait3A] : memref<10240x128xf32, #tpu.memory_space<vmem_shared>> -> memref<128x128xf32, #tpu.memory_space<vmem_shared>>
      %dma_wait3A_42 = arith.constant 0 : i32
      %dma_wait3A_43 = tpu.memref_slice %arg10[%add3A_14, %dma_wait3A_42] : memref<10240x128xf32, #tpu.memory_space<vmem_shared>> -> memref<128x128xf32, #tpu.memory_space<vmem_shared>>
      tpu.wait_dma2 semaphore(%run_scoped3A : memref<!tpu.dma_semaphore, #tpu.memory_space<semaphore_mem>>) src(%arg8 : memref<128x128xf32, #tpu.memory_space<vmem>>) dst(%dma_wait3A_43 : memref<128x128xf32, #tpu.memory_space<vmem_shared>>)
      tpu.yield
    }) : () -> ()
    %mul3A_15 = arith.constant 640 : i32
    %mul3A_16 = arith.muli %arg1, %mul3A_15 : i32
    %add3A_17 = arith.constant 256 : i32
    %add3A_18 = arith.addi %mul3A_16, %add3A_17 : i32
    "tpu.region"() ({
      %run_scoped3A = tpu.sem_alloc : memref<!tpu.dma_semaphore, #tpu.memory_space<semaphore_mem>>
      %dma_start3A = arith.constant 0 : i32
      %dma_start3A_38 = tpu.memref_slice %arg10[%add3A_18, %dma_start3A] : memref<10240x128xf32, #tpu.memory_space<vmem_shared>> -> memref<128x128xf32, #tpu.memory_space<vmem_shared>>
      %dma_start3A_39 = arith.constant 0 : i32
      %dma_start3A_40 = tpu.memref_slice %arg10[%add3A_18, %dma_start3A_39] : memref<10240x128xf32, #tpu.memory_space<vmem_shared>> -> memref<128x128xf32, #tpu.memory_space<vmem_shared>>
      tpu.enqueue_dma source(%arg8 : memref<128x128xf32, #tpu.memory_space<vmem>>) target(%dma_start3A_40 : memref<128x128xf32, #tpu.memory_space<vmem_shared>>) target_semaphore(%run_scoped3A : memref<!tpu.dma_semaphore, #tpu.memory_space<semaphore_mem>>)
      %dma_wait3A = arith.constant 0 : i32
      %dma_wait3A_41 = tpu.memref_slice %arg10[%add3A_18, %dma_wait3A] : memref<10240x128xf32, #tpu.memory_space<vmem_shared>> -> memref<128x128xf32, #tpu.memory_space<vmem_shared>>
      %dma_wait3A_42 = arith.constant 0 : i32
      %dma_wait3A_43 = tpu.memref_slice %arg10[%add3A_18, %dma_wait3A_42] : memref<10240x128xf32, #tpu.memory_space<vmem_shared>> -> memref<128x128xf32, #tpu.memory_space<vmem_shared>>
      tpu.wait_dma2 semaphore(%run_scoped3A : memref<!tpu.dma_semaphore, #tpu.memory_space<semaphore_mem>>) src(%arg8 : memref<128x128xf32, #tpu.memory_space<vmem>>) dst(%dma_wait3A_43 : memref<128x128xf32, #tpu.memory_space<vmem_shared>>)
      tpu.yield
    }) : () -> ()
    %mul3A_19 = arith.constant 640 : i32
    %mul3A_20 = arith.muli %arg1, %mul3A_19 : i32
    %add3A_21 = arith.constant 384 : i32
    %add3A_22 = arith.addi %mul3A_20, %add3A_21 : i32
    "tpu.region"() ({
      %run_scoped3A = tpu.sem_alloc : memref<!tpu.dma_semaphore, #tpu.memory_space<semaphore_mem>>
      %dma_start3A = arith.constant 0 : i32
      %dma_start3A_38 = tpu.memref_slice %arg10[%add3A_22, %dma_start3A] : memref<10240x128xf32, #tpu.memory_space<vmem_shared>> -> memref<128x128xf32, #tpu.memory_space<vmem_shared>>
      %dma_start3A_39 = arith.constant 0 : i32
      %dma_start3A_40 = tpu.memref_slice %arg10[%add3A_22, %dma_start3A_39] : memref<10240x128xf32, #tpu.memory_space<vmem_shared>> -> memref<128x128xf32, #tpu.memory_space<vmem_shared>>
      tpu.enqueue_dma source(%arg8 : memref<128x128xf32, #tpu.memory_space<vmem>>) target(%dma_start3A_40 : memref<128x128xf32, #tpu.memory_space<vmem_shared>>) target_semaphore(%run_scoped3A : memref<!tpu.dma_semaphore, #tpu.memory_space<semaphore_mem>>)
      %dma_wait3A = arith.constant 0 : i32
      %dma_wait3A_41 = tpu.memref_slice %arg10[%add3A_22, %dma_wait3A] : memref<10240x128xf32, #tpu.memory_space<vmem_shared>> -> memref<128x128xf32, #tpu.memory_space<vmem_shared>>
      %dma_wait3A_42 = arith.constant 0 : i32
      %dma_wait3A_43 = tpu.memref_slice %arg10[%add3A_22, %dma_wait3A_42] : memref<10240x128xf32, #tpu.memory_space<vmem_shared>> -> memref<128x128xf32, #tpu.memory_space<vmem_shared>>
      tpu.wait_dma2 semaphore(%run_scoped3A : memref<!tpu.dma_semaphore, #tpu.memory_space<semaphore_mem>>) src(%arg8 : memref<128x128xf32, #tpu.memory_space<vmem>>) dst(%dma_wait3A_43 : memref<128x128xf32, #tpu.memory_space<vmem_shared>>)
      tpu.yield
    }) : () -> ()
    %mul3A_23 = arith.constant 640 : i32
    %mul3A_24 = arith.muli %arg1, %mul3A_23 : i32
    %add3A_25 = arith.constant 512 : i32
    %add3A_26 = arith.addi %mul3A_24, %add3A_25 : i32
    "tpu.region"() ({
      %run_scoped3A = tpu.sem_alloc : memref<!tpu.dma_semaphore, #tpu.memory_space<semaphore_mem>>
      %dma_start3A = arith.constant 0 : i32
      %dma_start3A_38 = tpu.memref_slice %arg10[%add3A_26, %dma_start3A] : memref<10240x128xf32, #tpu.memory_space<vmem_shared>> -> memref<128x128xf32, #tpu.memory_space<vmem_shared>>
      %dma_start3A_39 = arith.constant 0 : i32
      %dma_start3A_40 = tpu.memref_slice %arg10[%add3A_26, %dma_start3A_39] : memref<10240x128xf32, #tpu.memory_space<vmem_shared>> -> memref<128x128xf32, #tpu.memory_space<vmem_shared>>
      tpu.enqueue_dma source(%arg8 : memref<128x128xf32, #tpu.memory_space<vmem>>) target(%dma_start3A_40 : memref<128x128xf32, #tpu.memory_space<vmem_shared>>) target_semaphore(%run_scoped3A : memref<!tpu.dma_semaphore, #tpu.memory_space<semaphore_mem>>)
      %dma_wait3A = arith.constant 0 : i32
      %dma_wait3A_41 = tpu.memref_slice %arg10[%add3A_26, %dma_wait3A] : memref<10240x128xf32, #tpu.memory_space<vmem_shared>> -> memref<128x128xf32, #tpu.memory_space<vmem_shared>>
      %dma_wait3A_42 = arith.constant 0 : i32
      %dma_wait3A_43 = tpu.memref_slice %arg10[%add3A_26, %dma_wait3A_42] : memref<10240x128xf32, #tpu.memory_space<vmem_shared>> -> memref<128x128xf32, #tpu.memory_space<vmem_shared>>
      tpu.wait_dma2 semaphore(%run_scoped3A : memref<!tpu.dma_semaphore, #tpu.memory_space<semaphore_mem>>) src(%arg8 : memref<128x128xf32, #tpu.memory_space<vmem>>) dst(%dma_wait3A_43 : memref<128x128xf32, #tpu.memory_space<vmem_shared>>)
      tpu.yield
    }) : () -> ()
    %barrier3A = arith.constant 0 : index
    tpu.barrier barrier_id(%barrier3A)
    %scan3A_27 = arith.constant 0 : i32
    %scan3A_28 = arith.constant 0 : i32
    %scan3A_29 = arith.constant 79 : i32
    %scan3A_30 = arith.addi %scan3A_28, %scan3A_29 : i32
    %scan3A_31 = arith.constant 1 : i32
    scf.for %scan3A_38 = %scan3A_28 to %scan3A_30 step %scan3A_31  : i32 {
      %mul3A_39 = arith.constant 10112 : i32
      %mul3A_40 = arith.muli %add3A, %mul3A_39 : i32
      %mul3A_41 = arith.constant 128 : i32
      %mul3A_42 = arith.muli %scan3A_38, %mul3A_41 : i32
      %add3A_43 = arith.addi %mul3A_40, %mul3A_42 : i32
      "tpu.region"() ({
        %run_scoped3A = tpu.sem_alloc : memref<!tpu.dma_semaphore, #tpu.memory_space<semaphore_mem>>
        %dma_start3A_48 = tpu.memref_slice %arg2[%add3A_43] : memref<323584xi32, #tpu.memory_space<hbm>> -> memref<128xi32, #tpu.memory_space<hbm>>
        %dma_start3A_49 = tpu.memref_slice %arg2[%add3A_43] : memref<323584xi32, #tpu.memory_space<hbm>> -> memref<128xi32, #tpu.memory_space<hbm>>
        tpu.enqueue_dma source(%dma_start3A_49 : memref<128xi32, #tpu.memory_space<hbm>>) target(%arg6 : memref<128xi32, #tpu.memory_space<vmem>>) target_semaphore(%run_scoped3A : memref<!tpu.dma_semaphore, #tpu.memory_space<semaphore_mem>>)
        %dma_wait3A_50 = tpu.memref_slice %arg2[%add3A_43] : memref<323584xi32, #tpu.memory_space<hbm>> -> memref<128xi32, #tpu.memory_space<hbm>>
        %dma_wait3A_51 = tpu.memref_slice %arg2[%add3A_43] : memref<323584xi32, #tpu.memory_space<hbm>> -> memref<128xi32, #tpu.memory_space<hbm>>
        tpu.wait_dma2 semaphore(%run_scoped3A : memref<!tpu.dma_semaphore, #tpu.memory_space<semaphore_mem>>) src(%dma_wait3A_51 : memref<128xi32, #tpu.memory_space<hbm>>) dst(%arg6 : memref<128xi32, #tpu.memory_space<vmem>>)
        tpu.yield
      }) : () -> ()
      "tpu.region"() ({
        %run_scoped3A = tpu.sem_alloc : memref<!tpu.dma_semaphore, #tpu.memory_space<semaphore_mem>>
        %dma_start3A_48 = tpu.memref_slice %arg3[%add3A_43] : memref<323584xi32, #tpu.memory_space<hbm>> -> memref<128xi32, #tpu.memory_space<hbm>>
        %dma_start3A_49 = tpu.memref_slice %arg3[%add3A_43] : memref<323584xi32, #tpu.memory_space<hbm>> -> memref<128xi32, #tpu.memory_space<hbm>>
        tpu.enqueue_dma source(%dma_start3A_49 : memref<128xi32, #tpu.memory_space<hbm>>) target(%arg7 : memref<128xi32, #tpu.memory_space<vmem>>) target_semaphore(%run_scoped3A : memref<!tpu.dma_semaphore, #tpu.memory_space<semaphore_mem>>)
        %dma_wait3A_50 = tpu.memref_slice %arg3[%add3A_43] : memref<323584xi32, #tpu.memory_space<hbm>> -> memref<128xi32, #tpu.memory_space<hbm>>
        %dma_wait3A_51 = tpu.memref_slice %arg3[%add3A_43] : memref<323584xi32, #tpu.memory_space<hbm>> -> memref<128xi32, #tpu.memory_space<hbm>>
        tpu.wait_dma2 semaphore(%run_scoped3A : memref<!tpu.dma_semaphore, #tpu.memory_space<semaphore_mem>>) src(%dma_wait3A_51 : memref<128xi32, #tpu.memory_space<hbm>>) dst(%arg7 : memref<128xi32, #tpu.memory_space<vmem>>)
        tpu.yield
      }) : () -> ()
      %dma_start3A = arith.constant 0 : i32
      %dma_start3A_44 = arith.constant 0 : i32
      %dma_start3A_45 = tpu.memref_slice %arg4[%dma_start3A, %dma_start3A_44] : memref<10240x128xf32, #tpu.memory_space<hbm>> -> memref<10240x128xf32, #tpu.memory_space<hbm>>
      tpu.enqueue_indirect_dma source(%dma_start3A_45 : memref<10240x128xf32, #tpu.memory_space<hbm>>) target(%arg8 : memref<128x128xf32, #tpu.memory_space<vmem>>) offsets(%arg6 : memref<128xi32, #tpu.memory_space<vmem>>) semaphore(%arg9 : memref<!tpu.dma_semaphore, #tpu.memory_space<semaphore_mem>>)
      %dma_wait3A = arith.constant 0 : i32
      %dma_wait3A_46 = arith.constant 0 : i32
      %dma_wait3A_47 = tpu.memref_slice %arg4[%dma_wait3A, %dma_wait3A_46] : memref<10240x128xf32, #tpu.memory_space<hbm>> -> memref<10240x128xf32, #tpu.memory_space<hbm>>
      tpu.wait_indirect_dma semaphore(%arg9 : memref<!tpu.dma_semaphore, #tpu.memory_space<semaphore_mem>>) src(%dma_wait3A_47 : memref<10240x128xf32, #tpu.memory_space<hbm>>) dst(%arg8 : memref<128x128xf32, #tpu.memory_space<vmem>>)
      "tpu.region"() ({
        %run_scoped3A = tpu.sem_alloc : memref<!tpu.dma_semaphore, #tpu.memory_space<semaphore_mem>>
        %dma_start3A_48 = arith.constant 0 : i32
        %dma_start3A_49 = arith.constant 0 : i32
        %dma_start3A_50 = tpu.memref_slice %arg10[%dma_start3A_48, %dma_start3A_49] : memref<10240x128xf32, #tpu.memory_space<vmem_shared>> -> memref<10240x128xf32, #tpu.memory_space<vmem_shared>>
        tpu.enqueue_indirect_dma source(%arg8 : memref<128x128xf32, #tpu.memory_space<vmem>>) target(%dma_start3A_50 : memref<10240x128xf32, #tpu.memory_space<vmem_shared>>) offsets(%arg7 : memref<128xi32, #tpu.memory_space<vmem>>) semaphore(%run_scoped3A : memref<!tpu.dma_semaphore, #tpu.memory_space<semaphore_mem>>) {add = true}
        %dma_wait3A_51 = arith.constant 0 : i32
        %dma_wait3A_52 = arith.constant 0 : i32
        %dma_wait3A_53 = tpu.memref_slice %arg10[%dma_wait3A_51, %dma_wait3A_52] : memref<10240x128xf32, #tpu.memory_space<vmem_shared>> -> memref<10240x128xf32, #tpu.memory_space<vmem_shared>>
        tpu.wait_indirect_dma semaphore(%run_scoped3A : memref<!tpu.dma_semaphore, #tpu.memory_space<semaphore_mem>>) src(%arg8 : memref<128x128xf32, #tpu.memory_space<vmem>>) dst(%dma_wait3A_53 : memref<10240x128xf32, #tpu.memory_space<vmem_shared>>)
        tpu.yield
      }) : () -> ()
    }
    %scan3A_32 = arith.constant 79 : i32
    %barrier3A_33 = arith.constant 0 : index
    tpu.barrier barrier_id(%barrier3A_33)
    %mul3A_34 = arith.constant 640 : i32
    %mul3A_35 = arith.muli %arg1, %mul3A_34 : i32
    %mul3A_36 = arith.constant 640 : i32
    %mul3A_37 = arith.muli %arg1, %mul3A_36 : i32
    "tpu.region"() ({
      %run_scoped3A = tpu.sem_alloc : memref<!tpu.dma_semaphore, #tpu.memory_space<semaphore_mem>>
      %dma_start3A = arith.constant 0 : i32
      %dma_start3A_38 = tpu.memref_slice %arg5[%arg0, %mul3A_37, %dma_start3A] : memref<2x10240x128xf32, #tpu.memory_space<hbm>> -> memref<1x640x128xf32, #tpu.memory_space<hbm>>
      %dma_start3A_39 = tpu.memref_squeeze %dma_start3A_38 : memref<1x640x128xf32, #tpu.memory_space<hbm>> -> memref<640x128xf32, #tpu.memory_space<hbm>>
      %dma_start3A_40 = arith.constant 0 : i32
      %dma_start3A_41 = tpu.memref_slice %arg10[%mul3A_35, %dma_start3A_40] : memref<10240x128xf32, #tpu.memory_space<vmem_shared>> -> memref<640x128xf32, #tpu.memory_space<vmem_shared>>
      tpu.enqueue_dma source(%dma_start3A_41 : memref<640x128xf32, #tpu.memory_space<vmem_shared>>) target(%dma_start3A_39 : memref<640x128xf32, #tpu.memory_space<hbm>>) target_semaphore(%run_scoped3A : memref<!tpu.dma_semaphore, #tpu.memory_space<semaphore_mem>>)
      %dma_wait3A = arith.constant 0 : i32
      %dma_wait3A_42 = tpu.memref_slice %arg5[%arg0, %mul3A_37, %dma_wait3A] : memref<2x10240x128xf32, #tpu.memory_space<hbm>> -> memref<1x640x128xf32, #tpu.memory_space<hbm>>
      %dma_wait3A_43 = tpu.memref_squeeze %dma_wait3A_42 : memref<1x640x128xf32, #tpu.memory_space<hbm>> -> memref<640x128xf32, #tpu.memory_space<hbm>>
      %dma_wait3A_44 = arith.constant 0 : i32
      %dma_wait3A_45 = tpu.memref_slice %arg10[%mul3A_35, %dma_wait3A_44] : memref<10240x128xf32, #tpu.memory_space<vmem_shared>> -> memref<640x128xf32, #tpu.memory_space<vmem_shared>>
      tpu.wait_dma2 semaphore(%run_scoped3A : memref<!tpu.dma_semaphore, #tpu.memory_space<semaphore_mem>>) src(%dma_wait3A_45 : memref<640x128xf32, #tpu.memory_space<vmem_shared>>) dst(%dma_wait3A_43 : memref<640x128xf32, #tpu.memory_space<hbm>>)
      tpu.yield
    }) : () -> ()
    return
  }
}

#map = affine_map<(d0, d1) -> (0)>
#map1 = affine_map<(d0, d1) -> (0, 0, 0)>
module attributes {stable_mosaic.version = 14 : i64} {
  func.func @_deg_body(%arg0: i32, %arg1: i32, %arg2: memref<323584xi32, #tpu.memory_space<hbm>>, %arg3: memref<2x10240x128xf32, #tpu.memory_space<hbm>>, %arg4: memref<128xi32, #tpu.memory_space<vmem>>, %arg5: memref<128x128xf32, #tpu.memory_space<vmem>>, %arg6: memref<10240x128xf32, #tpu.memory_space<vmem_shared>>) attributes {dimension_semantics = [#tpu.dimension_semantics<core_parallel>, #tpu.dimension_semantics<subcore_parallel>], iteration_bounds = array<i64: 2, 16>, scalar_prefetch = 0 : i64, scratch_operands = 3 : i64, tpu.core_type = #tpu.core_type<sc_vector_subcore>, window_params = [{transform_indices = #map}, {transform_indices = #map1}]} {
    %mul3A = arith.constant 16 : i32
    %mul3A_0 = arith.muli %arg0, %mul3A : i32
    %add3A = arith.addi %mul3A_0, %arg1 : i32
    %broadcast_in_dim3A = arith.constant 0.000000e+00 : f32
    %broadcast_in_dim3A_1 = vector.broadcast %broadcast_in_dim3A : f32 to vector<16xf32>
    %broadcast_in_dim3A_2 = arith.constant 1.000000e+00 : f32
    %broadcast_in_dim3A_3 = vector.broadcast %broadcast_in_dim3A_2 : f32 to vector<16xf32>
    %scan3A = arith.constant 0 : i32
    %scan3A_4 = arith.constant 0 : i32
    %scan3A_5 = arith.constant 1024 : i32
    %scan3A_6 = arith.addi %scan3A_4, %scan3A_5 : i32
    %scan3A_7 = arith.constant 1 : i32
    scf.for %scan3A_46 = %scan3A_4 to %scan3A_6 step %scan3A_7  : i32 {
      %jit3A = arith.constant 8 : i32
      %div3A = arith.divsi %scan3A_46, %jit3A : i32
      %sign3A = arith.constant 0 : i32
      %sign3A_47 = arith.cmpi sgt, %scan3A_46, %sign3A : i32
      %sign3A_48 = arith.extui %sign3A_47 : i1 to i32
      %sign3A_49 = arith.constant 0 : i32
      %sign3A_50 = arith.cmpi slt, %scan3A_46, %sign3A_49 : i32
      %sign3A_51 = arith.extui %sign3A_50 : i1 to i32
      %sign3A_52 = arith.subi %sign3A_48, %sign3A_51 : i32
      %sign3A_53 = arith.constant 0 : i32
      %sign3A_54 = arith.cmpi sgt, %jit3A, %sign3A_53 : i32
      %sign3A_55 = arith.extui %sign3A_54 : i1 to i32
      %sign3A_56 = arith.constant 0 : i32
      %sign3A_57 = arith.cmpi slt, %jit3A, %sign3A_56 : i32
      %sign3A_58 = arith.extui %sign3A_57 : i1 to i32
      %sign3A_59 = arith.subi %sign3A_55, %sign3A_58 : i32
      %ne3A = arith.cmpi ne, %sign3A_52, %sign3A_59 : i32
      %rem3A = arith.remsi %scan3A_46, %jit3A : i32
      %ne3A_60 = arith.constant 0 : i32
      %ne3A_61 = arith.cmpi ne, %rem3A, %ne3A_60 : i32
      %and3A = arith.andi %ne3A, %ne3A_61 : i1
      %sub3A = arith.constant 1 : i32
      %sub3A_62 = arith.subi %div3A, %sub3A : i32
      %select_n3A = arith.select %and3A, %sub3A_62, %div3A : i32
      %jit3A_63 = arith.constant 8 : i32
      %eq3A = arith.constant 0 : i32
      %eq3A_64 = arith.cmpi eq, %jit3A_63, %eq3A : i32
      %jit3A_65 = arith.constant 1 : i32
      %select_n3A_66 = arith.select %eq3A_64, %jit3A_65, %jit3A_63 : i32
      %rem3A_67 = arith.remsi %scan3A_46, %select_n3A_66 : i32
      %ne3A_68 = arith.constant 0 : i32
      %ne3A_69 = arith.cmpi ne, %rem3A_67, %ne3A_68 : i32
      %lt3A = arith.constant 0 : i32
      %lt3A_70 = arith.cmpi slt, %rem3A_67, %lt3A : i32
      %lt3A_71 = arith.constant 0 : i32
      %lt3A_72 = arith.cmpi slt, %select_n3A_66, %lt3A_71 : i32
      %ne3A_73 = arith.xori %lt3A_70, %lt3A_72 : i1
      %and3A_74 = arith.andi %ne3A_73, %ne3A_69 : i1
      %add3A_75 = arith.addi %rem3A_67, %select_n3A_66 : i32
      %select_n3A_76 = arith.select %and3A_74, %add3A_75, %rem3A_67 : i32
      %mul3A_77 = arith.constant 16 : i32
      %mul3A_78 = arith.muli %select_n3A_76, %mul3A_77 : i32
      %swap3A = arith.index_cast %select_n3A : i32 to index
      %swap3A_79 = arith.index_cast %mul3A_78 : i32 to index
      %swap3A_80 = tpu.vector_load %arg5[%swap3A, %swap3A_79] {strides = array<i32>} : memref<128x128xf32, #tpu.memory_space<vmem>>, vector<1x16xf32>,
      %swap3A_81 = vector.shape_cast %swap3A_80 : vector<1x16xf32> to vector<16xf32>
      %swap3A_82 = vector.shape_cast %broadcast_in_dim3A_1 : vector<16xf32> to vector<1x16xf32>
      tpu.vector_store %arg5[%swap3A, %swap3A_79], %swap3A_82 {strides = array<i32>} : memref<128x128xf32, #tpu.memory_space<vmem>>, vector<1x16xf32>,
    }
    %scan3A_8 = arith.constant 1024 : i32
    %mul3A_9 = arith.constant 640 : i32
    %mul3A_10 = arith.muli %arg1, %mul3A_9 : i32
    %add3A_11 = arith.constant 0 : i32
    %add3A_12 = arith.addi %mul3A_10, %add3A_11 : i32
    "tpu.region"() ({
      %run_scoped3A = tpu.sem_alloc : memref<!tpu.dma_semaphore, #tpu.memory_space<semaphore_mem>>
      %dma_start3A = arith.constant 0 : i32
      %dma_start3A_46 = tpu.memref_slice %arg6[%add3A_12, %dma_start3A] : memref<10240x128xf32, #tpu.memory_space<vmem_shared>> -> memref<128x128xf32, #tpu.memory_space<vmem_shared>>
      %dma_start3A_47 = arith.constant 0 : i32
      %dma_start3A_48 = tpu.memref_slice %arg6[%add3A_12, %dma_start3A_47] : memref<10240x128xf32, #tpu.memory_space<vmem_shared>> -> memref<128x128xf32, #tpu.memory_space<vmem_shared>>
      tpu.enqueue_dma source(%arg5 : memref<128x128xf32, #tpu.memory_space<vmem>>) target(%dma_start3A_48 : memref<128x128xf32, #tpu.memory_space<vmem_shared>>) target_semaphore(%run_scoped3A : memref<!tpu.dma_semaphore, #tpu.memory_space<semaphore_mem>>)
      %dma_wait3A = arith.constant 0 : i32
      %dma_wait3A_49 = tpu.memref_slice %arg6[%add3A_12, %dma_wait3A] : memref<10240x128xf32, #tpu.memory_space<vmem_shared>> -> memref<128x128xf32, #tpu.memory_space<vmem_shared>>
      %dma_wait3A_50 = arith.constant 0 : i32
      %dma_wait3A_51 = tpu.memref_slice %arg6[%add3A_12, %dma_wait3A_50] : memref<10240x128xf32, #tpu.memory_space<vmem_shared>> -> memref<128x128xf32, #tpu.memory_space<vmem_shared>>
      tpu.wait_dma2 semaphore(%run_scoped3A : memref<!tpu.dma_semaphore, #tpu.memory_space<semaphore_mem>>) src(%arg5 : memref<128x128xf32, #tpu.memory_space<vmem>>) dst(%dma_wait3A_51 : memref<128x128xf32, #tpu.memory_space<vmem_shared>>)
      tpu.yield
    }) : () -> ()
    %mul3A_13 = arith.constant 640 : i32
    %mul3A_14 = arith.muli %arg1, %mul3A_13 : i32
    %add3A_15 = arith.constant 128 : i32
    %add3A_16 = arith.addi %mul3A_14, %add3A_15 : i32
    "tpu.region"() ({
      %run_scoped3A = tpu.sem_alloc : memref<!tpu.dma_semaphore, #tpu.memory_space<semaphore_mem>>
      %dma_start3A = arith.constant 0 : i32
      %dma_start3A_46 = tpu.memref_slice %arg6[%add3A_16, %dma_start3A] : memref<10240x128xf32, #tpu.memory_space<vmem_shared>> -> memref<128x128xf32, #tpu.memory_space<vmem_shared>>
      %dma_start3A_47 = arith.constant 0 : i32
      %dma_start3A_48 = tpu.memref_slice %arg6[%add3A_16, %dma_start3A_47] : memref<10240x128xf32, #tpu.memory_space<vmem_shared>> -> memref<128x128xf32, #tpu.memory_space<vmem_shared>>
      tpu.enqueue_dma source(%arg5 : memref<128x128xf32, #tpu.memory_space<vmem>>) target(%dma_start3A_48 : memref<128x128xf32, #tpu.memory_space<vmem_shared>>) target_semaphore(%run_scoped3A : memref<!tpu.dma_semaphore, #tpu.memory_space<semaphore_mem>>)
      %dma_wait3A = arith.constant 0 : i32
      %dma_wait3A_49 = tpu.memref_slice %arg6[%add3A_16, %dma_wait3A] : memref<10240x128xf32, #tpu.memory_space<vmem_shared>> -> memref<128x128xf32, #tpu.memory_space<vmem_shared>>
      %dma_wait3A_50 = arith.constant 0 : i32
      %dma_wait3A_51 = tpu.memref_slice %arg6[%add3A_16, %dma_wait3A_50] : memref<10240x128xf32, #tpu.memory_space<vmem_shared>> -> memref<128x128xf32, #tpu.memory_space<vmem_shared>>
      tpu.wait_dma2 semaphore(%run_scoped3A : memref<!tpu.dma_semaphore, #tpu.memory_space<semaphore_mem>>) src(%arg5 : memref<128x128xf32, #tpu.memory_space<vmem>>) dst(%dma_wait3A_51 : memref<128x128xf32, #tpu.memory_space<vmem_shared>>)
      tpu.yield
    }) : () -> ()
    %mul3A_17 = arith.constant 640 : i32
    %mul3A_18 = arith.muli %arg1, %mul3A_17 : i32
    %add3A_19 = arith.constant 256 : i32
    %add3A_20 = arith.addi %mul3A_18, %add3A_19 : i32
    "tpu.region"() ({
      %run_scoped3A = tpu.sem_alloc : memref<!tpu.dma_semaphore, #tpu.memory_space<semaphore_mem>>
      %dma_start3A = arith.constant 0 : i32
      %dma_start3A_46 = tpu.memref_slice %arg6[%add3A_20, %dma_start3A] : memref<10240x128xf32, #tpu.memory_space<vmem_shared>> -> memref<128x128xf32, #tpu.memory_space<vmem_shared>>
      %dma_start3A_47 = arith.constant 0 : i32
      %dma_start3A_48 = tpu.memref_slice %arg6[%add3A_20, %dma_start3A_47] : memref<10240x128xf32, #tpu.memory_space<vmem_shared>> -> memref<128x128xf32, #tpu.memory_space<vmem_shared>>
      tpu.enqueue_dma source(%arg5 : memref<128x128xf32, #tpu.memory_space<vmem>>) target(%dma_start3A_48 : memref<128x128xf32, #tpu.memory_space<vmem_shared>>) target_semaphore(%run_scoped3A : memref<!tpu.dma_semaphore, #tpu.memory_space<semaphore_mem>>)
      %dma_wait3A = arith.constant 0 : i32
      %dma_wait3A_49 = tpu.memref_slice %arg6[%add3A_20, %dma_wait3A] : memref<10240x128xf32, #tpu.memory_space<vmem_shared>> -> memref<128x128xf32, #tpu.memory_space<vmem_shared>>
      %dma_wait3A_50 = arith.constant 0 : i32
      %dma_wait3A_51 = tpu.memref_slice %arg6[%add3A_20, %dma_wait3A_50] : memref<10240x128xf32, #tpu.memory_space<vmem_shared>> -> memref<128x128xf32, #tpu.memory_space<vmem_shared>>
      tpu.wait_dma2 semaphore(%run_scoped3A : memref<!tpu.dma_semaphore, #tpu.memory_space<semaphore_mem>>) src(%arg5 : memref<128x128xf32, #tpu.memory_space<vmem>>) dst(%dma_wait3A_51 : memref<128x128xf32, #tpu.memory_space<vmem_shared>>)
      tpu.yield
    }) : () -> ()
    %mul3A_21 = arith.constant 640 : i32
    %mul3A_22 = arith.muli %arg1, %mul3A_21 : i32
    %add3A_23 = arith.constant 384 : i32
    %add3A_24 = arith.addi %mul3A_22, %add3A_23 : i32
    "tpu.region"() ({
      %run_scoped3A = tpu.sem_alloc : memref<!tpu.dma_semaphore, #tpu.memory_space<semaphore_mem>>
      %dma_start3A = arith.constant 0 : i32
      %dma_start3A_46 = tpu.memref_slice %arg6[%add3A_24, %dma_start3A] : memref<10240x128xf32, #tpu.memory_space<vmem_shared>> -> memref<128x128xf32, #tpu.memory_space<vmem_shared>>
      %dma_start3A_47 = arith.constant 0 : i32
      %dma_start3A_48 = tpu.memref_slice %arg6[%add3A_24, %dma_start3A_47] : memref<10240x128xf32, #tpu.memory_space<vmem_shared>> -> memref<128x128xf32, #tpu.memory_space<vmem_shared>>
      tpu.enqueue_dma source(%arg5 : memref<128x128xf32, #tpu.memory_space<vmem>>) target(%dma_start3A_48 : memref<128x128xf32, #tpu.memory_space<vmem_shared>>) target_semaphore(%run_scoped3A : memref<!tpu.dma_semaphore, #tpu.memory_space<semaphore_mem>>)
      %dma_wait3A = arith.constant 0 : i32
      %dma_wait3A_49 = tpu.memref_slice %arg6[%add3A_24, %dma_wait3A] : memref<10240x128xf32, #tpu.memory_space<vmem_shared>> -> memref<128x128xf32, #tpu.memory_space<vmem_shared>>
      %dma_wait3A_50 = arith.constant 0 : i32
      %dma_wait3A_51 = tpu.memref_slice %arg6[%add3A_24, %dma_wait3A_50] : memref<10240x128xf32, #tpu.memory_space<vmem_shared>> -> memref<128x128xf32, #tpu.memory_space<vmem_shared>>
      tpu.wait_dma2 semaphore(%run_scoped3A : memref<!tpu.dma_semaphore, #tpu.memory_space<semaphore_mem>>) src(%arg5 : memref<128x128xf32, #tpu.memory_space<vmem>>) dst(%dma_wait3A_51 : memref<128x128xf32, #tpu.memory_space<vmem_shared>>)
      tpu.yield
    }) : () -> ()
    %mul3A_25 = arith.constant 640 : i32
    %mul3A_26 = arith.muli %arg1, %mul3A_25 : i32
    %add3A_27 = arith.constant 512 : i32
    %add3A_28 = arith.addi %mul3A_26, %add3A_27 : i32
    "tpu.region"() ({
      %run_scoped3A = tpu.sem_alloc : memref<!tpu.dma_semaphore, #tpu.memory_space<semaphore_mem>>
      %dma_start3A = arith.constant 0 : i32
      %dma_start3A_46 = tpu.memref_slice %arg6[%add3A_28, %dma_start3A] : memref<10240x128xf32, #tpu.memory_space<vmem_shared>> -> memref<128x128xf32, #tpu.memory_space<vmem_shared>>
      %dma_start3A_47 = arith.constant 0 : i32
      %dma_start3A_48 = tpu.memref_slice %arg6[%add3A_28, %dma_start3A_47] : memref<10240x128xf32, #tpu.memory_space<vmem_shared>> -> memref<128x128xf32, #tpu.memory_space<vmem_shared>>
      tpu.enqueue_dma source(%arg5 : memref<128x128xf32, #tpu.memory_space<vmem>>) target(%dma_start3A_48 : memref<128x128xf32, #tpu.memory_space<vmem_shared>>) target_semaphore(%run_scoped3A : memref<!tpu.dma_semaphore, #tpu.memory_space<semaphore_mem>>)
      %dma_wait3A = arith.constant 0 : i32
      %dma_wait3A_49 = tpu.memref_slice %arg6[%add3A_28, %dma_wait3A] : memref<10240x128xf32, #tpu.memory_space<vmem_shared>> -> memref<128x128xf32, #tpu.memory_space<vmem_shared>>
      %dma_wait3A_50 = arith.constant 0 : i32
      %dma_wait3A_51 = tpu.memref_slice %arg6[%add3A_28, %dma_wait3A_50] : memref<10240x128xf32, #tpu.memory_space<vmem_shared>> -> memref<128x128xf32, #tpu.memory_space<vmem_shared>>
      tpu.wait_dma2 semaphore(%run_scoped3A : memref<!tpu.dma_semaphore, #tpu.memory_space<semaphore_mem>>) src(%arg5 : memref<128x128xf32, #tpu.memory_space<vmem>>) dst(%dma_wait3A_51 : memref<128x128xf32, #tpu.memory_space<vmem_shared>>)
      tpu.yield
    }) : () -> ()
    %scan3A_29 = arith.constant 0 : i32
    %scan3A_30 = arith.constant 0 : i32
    %scan3A_31 = arith.constant 1024 : i32
    %scan3A_32 = arith.addi %scan3A_30, %scan3A_31 : i32
    %scan3A_33 = arith.constant 1 : i32
    scf.for %scan3A_46 = %scan3A_30 to %scan3A_32 step %scan3A_33  : i32 {
      %jit3A = arith.constant 8 : i32
      %div3A = arith.divsi %scan3A_46, %jit3A : i32
      %sign3A = arith.constant 0 : i32
      %sign3A_47 = arith.cmpi sgt, %scan3A_46, %sign3A : i32
      %sign3A_48 = arith.extui %sign3A_47 : i1 to i32
      %sign3A_49 = arith.constant 0 : i32
      %sign3A_50 = arith.cmpi slt, %scan3A_46, %sign3A_49 : i32
      %sign3A_51 = arith.extui %sign3A_50 : i1 to i32
      %sign3A_52 = arith.subi %sign3A_48, %sign3A_51 : i32
      %sign3A_53 = arith.constant 0 : i32
      %sign3A_54 = arith.cmpi sgt, %jit3A, %sign3A_53 : i32
      %sign3A_55 = arith.extui %sign3A_54 : i1 to i32
      %sign3A_56 = arith.constant 0 : i32
      %sign3A_57 = arith.cmpi slt, %jit3A, %sign3A_56 : i32
      %sign3A_58 = arith.extui %sign3A_57 : i1 to i32
      %sign3A_59 = arith.subi %sign3A_55, %sign3A_58 : i32
      %ne3A = arith.cmpi ne, %sign3A_52, %sign3A_59 : i32
      %rem3A = arith.remsi %scan3A_46, %jit3A : i32
      %ne3A_60 = arith.constant 0 : i32
      %ne3A_61 = arith.cmpi ne, %rem3A, %ne3A_60 : i32
      %and3A = arith.andi %ne3A, %ne3A_61 : i1
      %sub3A = arith.constant 1 : i32
      %sub3A_62 = arith.subi %div3A, %sub3A : i32
      %select_n3A = arith.select %and3A, %sub3A_62, %div3A : i32
      %jit3A_63 = arith.constant 8 : i32
      %eq3A = arith.constant 0 : i32
      %eq3A_64 = arith.cmpi eq, %jit3A_63, %eq3A : i32
      %jit3A_65 = arith.constant 1 : i32
      %select_n3A_66 = arith.select %eq3A_64, %jit3A_65, %jit3A_63 : i32
      %rem3A_67 = arith.remsi %scan3A_46, %select_n3A_66 : i32
      %ne3A_68 = arith.constant 0 : i32
      %ne3A_69 = arith.cmpi ne, %rem3A_67, %ne3A_68 : i32
      %lt3A = arith.constant 0 : i32
      %lt3A_70 = arith.cmpi slt, %rem3A_67, %lt3A : i32
      %lt3A_71 = arith.constant 0 : i32
      %lt3A_72 = arith.cmpi slt, %select_n3A_66, %lt3A_71 : i32
      %ne3A_73 = arith.xori %lt3A_70, %lt3A_72 : i1
      %and3A_74 = arith.andi %ne3A_73, %ne3A_69 : i1
      %add3A_75 = arith.addi %rem3A_67, %select_n3A_66 : i32
      %select_n3A_76 = arith.select %and3A_74, %add3A_75, %rem3A_67 : i32
      %mul3A_77 = arith.constant 16 : i32
      %mul3A_78 = arith.muli %select_n3A_76, %mul3A_77 : i32
      %swap3A = arith.index_cast %select_n3A : i32 to index
      %swap3A_79 = arith.index_cast %mul3A_78 : i32 to index
      %swap3A_80 = tpu.vector_load %arg5[%swap3A, %swap3A_79] {strides = array<i32>} : memref<128x128xf32, #tpu.memory_space<vmem>>, vector<1x16xf32>,
      %swap3A_81 = vector.shape_cast %swap3A_80 : vector<1x16xf32> to vector<16xf32>
      %swap3A_82 = vector.shape_cast %broadcast_in_dim3A_3 : vector<16xf32> to vector<1x16xf32>
      tpu.vector_store %arg5[%swap3A, %swap3A_79], %swap3A_82 {strides = array<i32>} : memref<128x128xf32, #tpu.memory_space<vmem>>, vector<1x16xf32>,
    }
    %scan3A_34 = arith.constant 1024 : i32
    %barrier3A = arith.constant 0 : index
    tpu.barrier barrier_id(%barrier3A)
    %scan3A_35 = arith.constant 0 : i32
    %scan3A_36 = arith.constant 0 : i32
    %scan3A_37 = arith.constant 79 : i32
    %scan3A_38 = arith.addi %scan3A_36, %scan3A_37 : i32
    %scan3A_39 = arith.constant 1 : i32
    scf.for %scan3A_46 = %scan3A_36 to %scan3A_38 step %scan3A_39  : i32 {
      %mul3A_47 = arith.constant 10112 : i32
      %mul3A_48 = arith.muli %add3A, %mul3A_47 : i32
      %mul3A_49 = arith.constant 128 : i32
      %mul3A_50 = arith.muli %scan3A_46, %mul3A_49 : i32
      %add3A_51 = arith.addi %mul3A_48, %mul3A_50 : i32
      "tpu.region"() ({
        %run_scoped3A = tpu.sem_alloc : memref<!tpu.dma_semaphore, #tpu.memory_space<semaphore_mem>>
        %dma_start3A = tpu.memref_slice %arg2[%add3A_51] : memref<323584xi32, #tpu.memory_space<hbm>> -> memref<128xi32, #tpu.memory_space<hbm>>
        %dma_start3A_52 = tpu.memref_slice %arg2[%add3A_51] : memref<323584xi32, #tpu.memory_space<hbm>> -> memref<128xi32, #tpu.memory_space<hbm>>
        tpu.enqueue_dma source(%dma_start3A_52 : memref<128xi32, #tpu.memory_space<hbm>>) target(%arg4 : memref<128xi32, #tpu.memory_space<vmem>>) target_semaphore(%run_scoped3A : memref<!tpu.dma_semaphore, #tpu.memory_space<semaphore_mem>>)
        %dma_wait3A = tpu.memref_slice %arg2[%add3A_51] : memref<323584xi32, #tpu.memory_space<hbm>> -> memref<128xi32, #tpu.memory_space<hbm>>
        %dma_wait3A_53 = tpu.memref_slice %arg2[%add3A_51] : memref<323584xi32, #tpu.memory_space<hbm>> -> memref<128xi32, #tpu.memory_space<hbm>>
        tpu.wait_dma2 semaphore(%run_scoped3A : memref<!tpu.dma_semaphore, #tpu.memory_space<semaphore_mem>>) src(%dma_wait3A_53 : memref<128xi32, #tpu.memory_space<hbm>>) dst(%arg4 : memref<128xi32, #tpu.memory_space<vmem>>)
        tpu.yield
      }) : () -> ()
      "tpu.region"() ({
        %run_scoped3A = tpu.sem_alloc : memref<!tpu.dma_semaphore, #tpu.memory_space<semaphore_mem>>
        %dma_start3A = arith.constant 0 : i32
        %dma_start3A_52 = arith.constant 0 : i32
        %dma_start3A_53 = tpu.memref_slice %arg6[%dma_start3A, %dma_start3A_52] : memref<10240x128xf32, #tpu.memory_space<vmem_shared>> -> memref<10240x128xf32, #tpu.memory_space<vmem_shared>>
        tpu.enqueue_indirect_dma source(%arg5 : memref<128x128xf32, #tpu.memory_space<vmem>>) target(%dma_start3A_53 : memref<10240x128xf32, #tpu.memory_space<vmem_shared>>) offsets(%arg4 : memref<128xi32, #tpu.memory_space<vmem>>) semaphore(%run_scoped3A : memref<!tpu.dma_semaphore, #tpu.memory_space<semaphore_mem>>) {add = true}
        %dma_wait3A = arith.constant 0 : i32
        %dma_wait3A_54 = arith.constant 0 : i32
        %dma_wait3A_55 = tpu.memref_slice %arg6[%dma_wait3A, %dma_wait3A_54] : memref<10240x128xf32, #tpu.memory_space<vmem_shared>> -> memref<10240x128xf32, #tpu.memory_space<vmem_shared>>
        tpu.wait_indirect_dma semaphore(%run_scoped3A : memref<!tpu.dma_semaphore, #tpu.memory_space<semaphore_mem>>) src(%arg5 : memref<128x128xf32, #tpu.memory_space<vmem>>) dst(%dma_wait3A_55 : memref<10240x128xf32, #tpu.memory_space<vmem_shared>>)
        tpu.yield
      }) : () -> ()
    }
    %scan3A_40 = arith.constant 79 : i32
    %barrier3A_41 = arith.constant 0 : index
    tpu.barrier barrier_id(%barrier3A_41)
    %mul3A_42 = arith.constant 640 : i32
    %mul3A_43 = arith.muli %arg1, %mul3A_42 : i32
    %mul3A_44 = arith.constant 640 : i32
    %mul3A_45 = arith.muli %arg1, %mul3A_44 : i32
    "tpu.region"() ({
      %run_scoped3A = tpu.sem_alloc : memref<!tpu.dma_semaphore, #tpu.memory_space<semaphore_mem>>
      %dma_start3A = arith.constant 0 : i32
      %dma_start3A_46 = tpu.memref_slice %arg3[%arg0, %mul3A_45, %dma_start3A] : memref<2x10240x128xf32, #tpu.memory_space<hbm>> -> memref<1x640x128xf32, #tpu.memory_space<hbm>>
      %dma_start3A_47 = tpu.memref_squeeze %dma_start3A_46 : memref<1x640x128xf32, #tpu.memory_space<hbm>> -> memref<640x128xf32, #tpu.memory_space<hbm>>
      %dma_start3A_48 = arith.constant 0 : i32
      %dma_start3A_49 = tpu.memref_slice %arg6[%mul3A_43, %dma_start3A_48] : memref<10240x128xf32, #tpu.memory_space<vmem_shared>> -> memref<640x128xf32, #tpu.memory_space<vmem_shared>>
      tpu.enqueue_dma source(%dma_start3A_49 : memref<640x128xf32, #tpu.memory_space<vmem_shared>>) target(%dma_start3A_47 : memref<640x128xf32, #tpu.memory_space<hbm>>) target_semaphore(%run_scoped3A : memref<!tpu.dma_semaphore, #tpu.memory_space<semaphore_mem>>)
      %dma_wait3A = arith.constant 0 : i32
      %dma_wait3A_50 = tpu.memref_slice %arg3[%arg0, %mul3A_45, %dma_wait3A] : memref<2x10240x128xf32, #tpu.memory_space<hbm>> -> memref<1x640x128xf32, #tpu.memory_space<hbm>>
      %dma_wait3A_51 = tpu.memref_squeeze %dma_wait3A_50 : memref<1x640x128xf32, #tpu.memory_space<hbm>> -> memref<640x128xf32, #tpu.memory_space<hbm>>
      %dma_wait3A_52 = arith.constant 0 : i32
      %dma_wait3A_53 = tpu.memref_slice %arg6[%mul3A_43, %dma_wait3A_52] : memref<10240x128xf32, #tpu.memory_space<vmem_shared>> -> memref<640x128xf32, #tpu.memory_space<vmem_shared>>
      tpu.wait_dma2 semaphore(%run_scoped3A : memref<!tpu.dma_semaphore, #tpu.memory_space<semaphore_mem>>) src(%dma_wait3A_53 : memref<640x128xf32, #tpu.memory_space<vmem_shared>>) dst(%dma_wait3A_51 : memref<640x128xf32, #tpu.memory_space<hbm>>)
      tpu.yield
    }) : () -> ()
    return
  }
}

#map = affine_map<(d0, d1) -> (0)>
#map1 = affine_map<(d0, d1) -> (0, 0)>
#map2 = affine_map<(d0, d1) -> (0, 0, 0)>
module attributes {stable_mosaic.version = 14 : i64} {
  func.func @_agg_body(%arg0: i32, %arg1: i32, %arg2: memref<323584xi32, #tpu.memory_space<hbm>>, %arg3: memref<323584xi32, #tpu.memory_space<hbm>>, %arg4: memref<10240x128xf32, #tpu.memory_space<hbm>>, %arg5: memref<2x10240x128xf32, #tpu.memory_space<hbm>>, %arg6: memref<128xi32, #tpu.memory_space<vmem>>, %arg7: memref<128xi32, #tpu.memory_space<vmem>>, %arg8: memref<128x128xf32, #tpu.memory_space<vmem>>, %arg9: memref<!tpu.dma_semaphore, #tpu.memory_space<semaphore_mem>>, %arg10: memref<10240x128xf32, #tpu.memory_space<vmem_shared>>) attributes {dimension_semantics = [#tpu.dimension_semantics<core_parallel>, #tpu.dimension_semantics<subcore_parallel>], iteration_bounds = array<i64: 2, 16>, scalar_prefetch = 0 : i64, scratch_operands = 5 : i64, tpu.core_type = #tpu.core_type<sc_vector_subcore>, window_params = [{transform_indices = #map}, {transform_indices = #map}, {transform_indices = #map1}, {transform_indices = #map2}]} {
    %mul3A = arith.constant 16 : i32
    %mul3A_0 = arith.muli %arg0, %mul3A : i32
    %add3A = arith.addi %mul3A_0, %arg1 : i32
    %broadcast_in_dim3A = arith.constant 0.000000e+00 : f32
    %broadcast_in_dim3A_1 = vector.broadcast %broadcast_in_dim3A : f32 to vector<16xf32>
    %scan3A = arith.constant 0 : i32
    %scan3A_2 = arith.constant 0 : i32
    %scan3A_3 = arith.constant 1024 : i32
    %scan3A_4 = arith.addi %scan3A_2, %scan3A_3 : i32
    %scan3A_5 = arith.constant 1 : i32
    scf.for %scan3A_38 = %scan3A_2 to %scan3A_4 step %scan3A_5  : i32 {
      %jit3A = arith.constant 8 : i32
      %div3A = arith.divsi %scan3A_38, %jit3A : i32
      %sign3A = arith.constant 0 : i32
      %sign3A_39 = arith.cmpi sgt, %scan3A_38, %sign3A : i32
      %sign3A_40 = arith.extui %sign3A_39 : i1 to i32
      %sign3A_41 = arith.constant 0 : i32
      %sign3A_42 = arith.cmpi slt, %scan3A_38, %sign3A_41 : i32
      %sign3A_43 = arith.extui %sign3A_42 : i1 to i32
      %sign3A_44 = arith.subi %sign3A_40, %sign3A_43 : i32
      %sign3A_45 = arith.constant 0 : i32
      %sign3A_46 = arith.cmpi sgt, %jit3A, %sign3A_45 : i32
      %sign3A_47 = arith.extui %sign3A_46 : i1 to i32
      %sign3A_48 = arith.constant 0 : i32
      %sign3A_49 = arith.cmpi slt, %jit3A, %sign3A_48 : i32
      %sign3A_50 = arith.extui %sign3A_49 : i1 to i32
      %sign3A_51 = arith.subi %sign3A_47, %sign3A_50 : i32
      %ne3A = arith.cmpi ne, %sign3A_44, %sign3A_51 : i32
      %rem3A = arith.remsi %scan3A_38, %jit3A : i32
      %ne3A_52 = arith.constant 0 : i32
      %ne3A_53 = arith.cmpi ne, %rem3A, %ne3A_52 : i32
      %and3A = arith.andi %ne3A, %ne3A_53 : i1
      %sub3A = arith.constant 1 : i32
      %sub3A_54 = arith.subi %div3A, %sub3A : i32
      %select_n3A = arith.select %and3A, %sub3A_54, %div3A : i32
      %jit3A_55 = arith.constant 8 : i32
      %eq3A = arith.constant 0 : i32
      %eq3A_56 = arith.cmpi eq, %jit3A_55, %eq3A : i32
      %jit3A_57 = arith.constant 1 : i32
      %select_n3A_58 = arith.select %eq3A_56, %jit3A_57, %jit3A_55 : i32
      %rem3A_59 = arith.remsi %scan3A_38, %select_n3A_58 : i32
      %ne3A_60 = arith.constant 0 : i32
      %ne3A_61 = arith.cmpi ne, %rem3A_59, %ne3A_60 : i32
      %lt3A = arith.constant 0 : i32
      %lt3A_62 = arith.cmpi slt, %rem3A_59, %lt3A : i32
      %lt3A_63 = arith.constant 0 : i32
      %lt3A_64 = arith.cmpi slt, %select_n3A_58, %lt3A_63 : i32
      %ne3A_65 = arith.xori %lt3A_62, %lt3A_64 : i1
      %and3A_66 = arith.andi %ne3A_65, %ne3A_61 : i1
      %add3A_67 = arith.addi %rem3A_59, %select_n3A_58 : i32
      %select_n3A_68 = arith.select %and3A_66, %add3A_67, %rem3A_59 : i32
      %mul3A_69 = arith.constant 16 : i32
      %mul3A_70 = arith.muli %select_n3A_68, %mul3A_69 : i32
      %swap3A = arith.index_cast %select_n3A : i32 to index
      %swap3A_71 = arith.index_cast %mul3A_70 : i32 to index
      %swap3A_72 = tpu.vector_load %arg8[%swap3A, %swap3A_71] {strides = array<i32>} : memref<128x128xf32, #tpu.memory_space<vmem>>, vector<1x16xf32>,
      %swap3A_73 = vector.shape_cast %swap3A_72 : vector<1x16xf32> to vector<16xf32>
      %swap3A_74 = vector.shape_cast %broadcast_in_dim3A_1 : vector<16xf32> to vector<1x16xf32>
      tpu.vector_store %arg8[%swap3A, %swap3A_71], %swap3A_74 {strides = array<i32>} : memref<128x128xf32, #tpu.memory_space<vmem>>, vector<1x16xf32>,
    }
    %scan3A_6 = arith.constant 1024 : i32
    %mul3A_7 = arith.constant 640 : i32
    %mul3A_8 = arith.muli %arg1, %mul3A_7 : i32
    %add3A_9 = arith.constant 0 : i32
    %add3A_10 = arith.addi %mul3A_8, %add3A_9 : i32
    "tpu.region"() ({
      %run_scoped3A = tpu.sem_alloc : memref<!tpu.dma_semaphore, #tpu.memory_space<semaphore_mem>>
      %dma_start3A = arith.constant 0 : i32
      %dma_start3A_38 = tpu.memref_slice %arg10[%add3A_10, %dma_start3A] : memref<10240x128xf32, #tpu.memory_space<vmem_shared>> -> memref<128x128xf32, #tpu.memory_space<vmem_shared>>
      %dma_start3A_39 = arith.constant 0 : i32
      %dma_start3A_40 = tpu.memref_slice %arg10[%add3A_10, %dma_start3A_39] : memref<10240x128xf32, #tpu.memory_space<vmem_shared>> -> memref<128x128xf32, #tpu.memory_space<vmem_shared>>
      tpu.enqueue_dma source(%arg8 : memref<128x128xf32, #tpu.memory_space<vmem>>) target(%dma_start3A_40 : memref<128x128xf32, #tpu.memory_space<vmem_shared>>) target_semaphore(%run_scoped3A : memref<!tpu.dma_semaphore, #tpu.memory_space<semaphore_mem>>)
      %dma_wait3A = arith.constant 0 : i32
      %dma_wait3A_41 = tpu.memref_slice %arg10[%add3A_10, %dma_wait3A] : memref<10240x128xf32, #tpu.memory_space<vmem_shared>> -> memref<128x128xf32, #tpu.memory_space<vmem_shared>>
      %dma_wait3A_42 = arith.constant 0 : i32
      %dma_wait3A_43 = tpu.memref_slice %arg10[%add3A_10, %dma_wait3A_42] : memref<10240x128xf32, #tpu.memory_space<vmem_shared>> -> memref<128x128xf32, #tpu.memory_space<vmem_shared>>
      tpu.wait_dma2 semaphore(%run_scoped3A : memref<!tpu.dma_semaphore, #tpu.memory_space<semaphore_mem>>) src(%arg8 : memref<128x128xf32, #tpu.memory_space<vmem>>) dst(%dma_wait3A_43 : memref<128x128xf32, #tpu.memory_space<vmem_shared>>)
      tpu.yield
    }) : () -> ()
    %mul3A_11 = arith.constant 640 : i32
    %mul3A_12 = arith.muli %arg1, %mul3A_11 : i32
    %add3A_13 = arith.constant 128 : i32
    %add3A_14 = arith.addi %mul3A_12, %add3A_13 : i32
    "tpu.region"() ({
      %run_scoped3A = tpu.sem_alloc : memref<!tpu.dma_semaphore, #tpu.memory_space<semaphore_mem>>
      %dma_start3A = arith.constant 0 : i32
      %dma_start3A_38 = tpu.memref_slice %arg10[%add3A_14, %dma_start3A] : memref<10240x128xf32, #tpu.memory_space<vmem_shared>> -> memref<128x128xf32, #tpu.memory_space<vmem_shared>>
      %dma_start3A_39 = arith.constant 0 : i32
      %dma_start3A_40 = tpu.memref_slice %arg10[%add3A_14, %dma_start3A_39] : memref<10240x128xf32, #tpu.memory_space<vmem_shared>> -> memref<128x128xf32, #tpu.memory_space<vmem_shared>>
      tpu.enqueue_dma source(%arg8 : memref<128x128xf32, #tpu.memory_space<vmem>>) target(%dma_start3A_40 : memref<128x128xf32, #tpu.memory_space<vmem_shared>>) target_semaphore(%run_scoped3A : memref<!tpu.dma_semaphore, #tpu.memory_space<semaphore_mem>>)
      %dma_wait3A = arith.constant 0 : i32
      %dma_wait3A_41 = tpu.memref_slice %arg10[%add3A_14, %dma_wait3A] : memref<10240x128xf32, #tpu.memory_space<vmem_shared>> -> memref<128x128xf32, #tpu.memory_space<vmem_shared>>
      %dma_wait3A_42 = arith.constant 0 : i32
      %dma_wait3A_43 = tpu.memref_slice %arg10[%add3A_14, %dma_wait3A_42] : memref<10240x128xf32, #tpu.memory_space<vmem_shared>> -> memref<128x128xf32, #tpu.memory_space<vmem_shared>>
      tpu.wait_dma2 semaphore(%run_scoped3A : memref<!tpu.dma_semaphore, #tpu.memory_space<semaphore_mem>>) src(%arg8 : memref<128x128xf32, #tpu.memory_space<vmem>>) dst(%dma_wait3A_43 : memref<128x128xf32, #tpu.memory_space<vmem_shared>>)
      tpu.yield
    }) : () -> ()
    %mul3A_15 = arith.constant 640 : i32
    %mul3A_16 = arith.muli %arg1, %mul3A_15 : i32
    %add3A_17 = arith.constant 256 : i32
    %add3A_18 = arith.addi %mul3A_16, %add3A_17 : i32
    "tpu.region"() ({
      %run_scoped3A = tpu.sem_alloc : memref<!tpu.dma_semaphore, #tpu.memory_space<semaphore_mem>>
      %dma_start3A = arith.constant 0 : i32
      %dma_start3A_38 = tpu.memref_slice %arg10[%add3A_18, %dma_start3A] : memref<10240x128xf32, #tpu.memory_space<vmem_shared>> -> memref<128x128xf32, #tpu.memory_space<vmem_shared>>
      %dma_start3A_39 = arith.constant 0 : i32
      %dma_start3A_40 = tpu.memref_slice %arg10[%add3A_18, %dma_start3A_39] : memref<10240x128xf32, #tpu.memory_space<vmem_shared>> -> memref<128x128xf32, #tpu.memory_space<vmem_shared>>
      tpu.enqueue_dma source(%arg8 : memref<128x128xf32, #tpu.memory_space<vmem>>) target(%dma_start3A_40 : memref<128x128xf32, #tpu.memory_space<vmem_shared>>) target_semaphore(%run_scoped3A : memref<!tpu.dma_semaphore, #tpu.memory_space<semaphore_mem>>)
      %dma_wait3A = arith.constant 0 : i32
      %dma_wait3A_41 = tpu.memref_slice %arg10[%add3A_18, %dma_wait3A] : memref<10240x128xf32, #tpu.memory_space<vmem_shared>> -> memref<128x128xf32, #tpu.memory_space<vmem_shared>>
      %dma_wait3A_42 = arith.constant 0 : i32
      %dma_wait3A_43 = tpu.memref_slice %arg10[%add3A_18, %dma_wait3A_42] : memref<10240x128xf32, #tpu.memory_space<vmem_shared>> -> memref<128x128xf32, #tpu.memory_space<vmem_shared>>
      tpu.wait_dma2 semaphore(%run_scoped3A : memref<!tpu.dma_semaphore, #tpu.memory_space<semaphore_mem>>) src(%arg8 : memref<128x128xf32, #tpu.memory_space<vmem>>) dst(%dma_wait3A_43 : memref<128x128xf32, #tpu.memory_space<vmem_shared>>)
      tpu.yield
    }) : () -> ()
    %mul3A_19 = arith.constant 640 : i32
    %mul3A_20 = arith.muli %arg1, %mul3A_19 : i32
    %add3A_21 = arith.constant 384 : i32
    %add3A_22 = arith.addi %mul3A_20, %add3A_21 : i32
    "tpu.region"() ({
      %run_scoped3A = tpu.sem_alloc : memref<!tpu.dma_semaphore, #tpu.memory_space<semaphore_mem>>
      %dma_start3A = arith.constant 0 : i32
      %dma_start3A_38 = tpu.memref_slice %arg10[%add3A_22, %dma_start3A] : memref<10240x128xf32, #tpu.memory_space<vmem_shared>> -> memref<128x128xf32, #tpu.memory_space<vmem_shared>>
      %dma_start3A_39 = arith.constant 0 : i32
      %dma_start3A_40 = tpu.memref_slice %arg10[%add3A_22, %dma_start3A_39] : memref<10240x128xf32, #tpu.memory_space<vmem_shared>> -> memref<128x128xf32, #tpu.memory_space<vmem_shared>>
      tpu.enqueue_dma source(%arg8 : memref<128x128xf32, #tpu.memory_space<vmem>>) target(%dma_start3A_40 : memref<128x128xf32, #tpu.memory_space<vmem_shared>>) target_semaphore(%run_scoped3A : memref<!tpu.dma_semaphore, #tpu.memory_space<semaphore_mem>>)
      %dma_wait3A = arith.constant 0 : i32
      %dma_wait3A_41 = tpu.memref_slice %arg10[%add3A_22, %dma_wait3A] : memref<10240x128xf32, #tpu.memory_space<vmem_shared>> -> memref<128x128xf32, #tpu.memory_space<vmem_shared>>
      %dma_wait3A_42 = arith.constant 0 : i32
      %dma_wait3A_43 = tpu.memref_slice %arg10[%add3A_22, %dma_wait3A_42] : memref<10240x128xf32, #tpu.memory_space<vmem_shared>> -> memref<128x128xf32, #tpu.memory_space<vmem_shared>>
      tpu.wait_dma2 semaphore(%run_scoped3A : memref<!tpu.dma_semaphore, #tpu.memory_space<semaphore_mem>>) src(%arg8 : memref<128x128xf32, #tpu.memory_space<vmem>>) dst(%dma_wait3A_43 : memref<128x128xf32, #tpu.memory_space<vmem_shared>>)
      tpu.yield
    }) : () -> ()
    %mul3A_23 = arith.constant 640 : i32
    %mul3A_24 = arith.muli %arg1, %mul3A_23 : i32
    %add3A_25 = arith.constant 512 : i32
    %add3A_26 = arith.addi %mul3A_24, %add3A_25 : i32
    "tpu.region"() ({
      %run_scoped3A = tpu.sem_alloc : memref<!tpu.dma_semaphore, #tpu.memory_space<semaphore_mem>>
      %dma_start3A = arith.constant 0 : i32
      %dma_start3A_38 = tpu.memref_slice %arg10[%add3A_26, %dma_start3A] : memref<10240x128xf32, #tpu.memory_space<vmem_shared>> -> memref<128x128xf32, #tpu.memory_space<vmem_shared>>
      %dma_start3A_39 = arith.constant 0 : i32
      %dma_start3A_40 = tpu.memref_slice %arg10[%add3A_26, %dma_start3A_39] : memref<10240x128xf32, #tpu.memory_space<vmem_shared>> -> memref<128x128xf32, #tpu.memory_space<vmem_shared>>
      tpu.enqueue_dma source(%arg8 : memref<128x128xf32, #tpu.memory_space<vmem>>) target(%dma_start3A_40 : memref<128x128xf32, #tpu.memory_space<vmem_shared>>) target_semaphore(%run_scoped3A : memref<!tpu.dma_semaphore, #tpu.memory_space<semaphore_mem>>)
      %dma_wait3A = arith.constant 0 : i32
      %dma_wait3A_41 = tpu.memref_slice %arg10[%add3A_26, %dma_wait3A] : memref<10240x128xf32, #tpu.memory_space<vmem_shared>> -> memref<128x128xf32, #tpu.memory_space<vmem_shared>>
      %dma_wait3A_42 = arith.constant 0 : i32
      %dma_wait3A_43 = tpu.memref_slice %arg10[%add3A_26, %dma_wait3A_42] : memref<10240x128xf32, #tpu.memory_space<vmem_shared>> -> memref<128x128xf32, #tpu.memory_space<vmem_shared>>
      tpu.wait_dma2 semaphore(%run_scoped3A : memref<!tpu.dma_semaphore, #tpu.memory_space<semaphore_mem>>) src(%arg8 : memref<128x128xf32, #tpu.memory_space<vmem>>) dst(%dma_wait3A_43 : memref<128x128xf32, #tpu.memory_space<vmem_shared>>)
      tpu.yield
    }) : () -> ()
    %barrier3A = arith.constant 0 : index
    tpu.barrier barrier_id(%barrier3A)
    %scan3A_27 = arith.constant 0 : i32
    %scan3A_28 = arith.constant 0 : i32
    %scan3A_29 = arith.constant 79 : i32
    %scan3A_30 = arith.addi %scan3A_28, %scan3A_29 : i32
    %scan3A_31 = arith.constant 1 : i32
    scf.for %scan3A_38 = %scan3A_28 to %scan3A_30 step %scan3A_31  : i32 {
      %mul3A_39 = arith.constant 10112 : i32
      %mul3A_40 = arith.muli %add3A, %mul3A_39 : i32
      %mul3A_41 = arith.constant 128 : i32
      %mul3A_42 = arith.muli %scan3A_38, %mul3A_41 : i32
      %add3A_43 = arith.addi %mul3A_40, %mul3A_42 : i32
      "tpu.region"() ({
        %run_scoped3A = tpu.sem_alloc : memref<!tpu.dma_semaphore, #tpu.memory_space<semaphore_mem>>
        %dma_start3A_48 = tpu.memref_slice %arg2[%add3A_43] : memref<323584xi32, #tpu.memory_space<hbm>> -> memref<128xi32, #tpu.memory_space<hbm>>
        %dma_start3A_49 = tpu.memref_slice %arg2[%add3A_43] : memref<323584xi32, #tpu.memory_space<hbm>> -> memref<128xi32, #tpu.memory_space<hbm>>
        tpu.enqueue_dma source(%dma_start3A_49 : memref<128xi32, #tpu.memory_space<hbm>>) target(%arg6 : memref<128xi32, #tpu.memory_space<vmem>>) target_semaphore(%run_scoped3A : memref<!tpu.dma_semaphore, #tpu.memory_space<semaphore_mem>>)
        %dma_wait3A_50 = tpu.memref_slice %arg2[%add3A_43] : memref<323584xi32, #tpu.memory_space<hbm>> -> memref<128xi32, #tpu.memory_space<hbm>>
        %dma_wait3A_51 = tpu.memref_slice %arg2[%add3A_43] : memref<323584xi32, #tpu.memory_space<hbm>> -> memref<128xi32, #tpu.memory_space<hbm>>
        tpu.wait_dma2 semaphore(%run_scoped3A : memref<!tpu.dma_semaphore, #tpu.memory_space<semaphore_mem>>) src(%dma_wait3A_51 : memref<128xi32, #tpu.memory_space<hbm>>) dst(%arg6 : memref<128xi32, #tpu.memory_space<vmem>>)
        tpu.yield
      }) : () -> ()
      "tpu.region"() ({
        %run_scoped3A = tpu.sem_alloc : memref<!tpu.dma_semaphore, #tpu.memory_space<semaphore_mem>>
        %dma_start3A_48 = tpu.memref_slice %arg3[%add3A_43] : memref<323584xi32, #tpu.memory_space<hbm>> -> memref<128xi32, #tpu.memory_space<hbm>>
        %dma_start3A_49 = tpu.memref_slice %arg3[%add3A_43] : memref<323584xi32, #tpu.memory_space<hbm>> -> memref<128xi32, #tpu.memory_space<hbm>>
        tpu.enqueue_dma source(%dma_start3A_49 : memref<128xi32, #tpu.memory_space<hbm>>) target(%arg7 : memref<128xi32, #tpu.memory_space<vmem>>) target_semaphore(%run_scoped3A : memref<!tpu.dma_semaphore, #tpu.memory_space<semaphore_mem>>)
        %dma_wait3A_50 = tpu.memref_slice %arg3[%add3A_43] : memref<323584xi32, #tpu.memory_space<hbm>> -> memref<128xi32, #tpu.memory_space<hbm>>
        %dma_wait3A_51 = tpu.memref_slice %arg3[%add3A_43] : memref<323584xi32, #tpu.memory_space<hbm>> -> memref<128xi32, #tpu.memory_space<hbm>>
        tpu.wait_dma2 semaphore(%run_scoped3A : memref<!tpu.dma_semaphore, #tpu.memory_space<semaphore_mem>>) src(%dma_wait3A_51 : memref<128xi32, #tpu.memory_space<hbm>>) dst(%arg7 : memref<128xi32, #tpu.memory_space<vmem>>)
        tpu.yield
      }) : () -> ()
      %dma_start3A = arith.constant 0 : i32
      %dma_start3A_44 = arith.constant 0 : i32
      %dma_start3A_45 = tpu.memref_slice %arg4[%dma_start3A, %dma_start3A_44] : memref<10240x128xf32, #tpu.memory_space<hbm>> -> memref<10240x128xf32, #tpu.memory_space<hbm>>
      tpu.enqueue_indirect_dma source(%dma_start3A_45 : memref<10240x128xf32, #tpu.memory_space<hbm>>) target(%arg8 : memref<128x128xf32, #tpu.memory_space<vmem>>) offsets(%arg6 : memref<128xi32, #tpu.memory_space<vmem>>) semaphore(%arg9 : memref<!tpu.dma_semaphore, #tpu.memory_space<semaphore_mem>>)
      %dma_wait3A = arith.constant 0 : i32
      %dma_wait3A_46 = arith.constant 0 : i32
      %dma_wait3A_47 = tpu.memref_slice %arg4[%dma_wait3A, %dma_wait3A_46] : memref<10240x128xf32, #tpu.memory_space<hbm>> -> memref<10240x128xf32, #tpu.memory_space<hbm>>
      tpu.wait_indirect_dma semaphore(%arg9 : memref<!tpu.dma_semaphore, #tpu.memory_space<semaphore_mem>>) src(%dma_wait3A_47 : memref<10240x128xf32, #tpu.memory_space<hbm>>) dst(%arg8 : memref<128x128xf32, #tpu.memory_space<vmem>>)
      "tpu.region"() ({
        %run_scoped3A = tpu.sem_alloc : memref<!tpu.dma_semaphore, #tpu.memory_space<semaphore_mem>>
        %dma_start3A_48 = arith.constant 0 : i32
        %dma_start3A_49 = arith.constant 0 : i32
        %dma_start3A_50 = tpu.memref_slice %arg10[%dma_start3A_48, %dma_start3A_49] : memref<10240x128xf32, #tpu.memory_space<vmem_shared>> -> memref<10240x128xf32, #tpu.memory_space<vmem_shared>>
        tpu.enqueue_indirect_dma source(%arg8 : memref<128x128xf32, #tpu.memory_space<vmem>>) target(%dma_start3A_50 : memref<10240x128xf32, #tpu.memory_space<vmem_shared>>) offsets(%arg7 : memref<128xi32, #tpu.memory_space<vmem>>) semaphore(%run_scoped3A : memref<!tpu.dma_semaphore, #tpu.memory_space<semaphore_mem>>) {add = true}
        %dma_wait3A_51 = arith.constant 0 : i32
        %dma_wait3A_52 = arith.constant 0 : i32
        %dma_wait3A_53 = tpu.memref_slice %arg10[%dma_wait3A_51, %dma_wait3A_52] : memref<10240x128xf32, #tpu.memory_space<vmem_shared>> -> memref<10240x128xf32, #tpu.memory_space<vmem_shared>>
        tpu.wait_indirect_dma semaphore(%run_scoped3A : memref<!tpu.dma_semaphore, #tpu.memory_space<semaphore_mem>>) src(%arg8 : memref<128x128xf32, #tpu.memory_space<vmem>>) dst(%dma_wait3A_53 : memref<10240x128xf32, #tpu.memory_space<vmem_shared>>)
        tpu.yield
      }) : () -> ()
    }
    %scan3A_32 = arith.constant 79 : i32
    %barrier3A_33 = arith.constant 0 : index
    tpu.barrier barrier_id(%barrier3A_33)
    %mul3A_34 = arith.constant 640 : i32
    %mul3A_35 = arith.muli %arg1, %mul3A_34 : i32
    %mul3A_36 = arith.constant 640 : i32
    %mul3A_37 = arith.muli %arg1, %mul3A_36 : i32
    "tpu.region"() ({
      %run_scoped3A = tpu.sem_alloc : memref<!tpu.dma_semaphore, #tpu.memory_space<semaphore_mem>>
      %dma_start3A = arith.constant 0 : i32
      %dma_start3A_38 = tpu.memref_slice %arg5[%arg0, %mul3A_37, %dma_start3A] : memref<2x10240x128xf32, #tpu.memory_space<hbm>> -> memref<1x640x128xf32, #tpu.memory_space<hbm>>
      %dma_start3A_39 = tpu.memref_squeeze %dma_start3A_38 : memref<1x640x128xf32, #tpu.memory_space<hbm>> -> memref<640x128xf32, #tpu.memory_space<hbm>>
      %dma_start3A_40 = arith.constant 0 : i32
      %dma_start3A_41 = tpu.memref_slice %arg10[%mul3A_35, %dma_start3A_40] : memref<10240x128xf32, #tpu.memory_space<vmem_shared>> -> memref<640x128xf32, #tpu.memory_space<vmem_shared>>
      tpu.enqueue_dma source(%dma_start3A_41 : memref<640x128xf32, #tpu.memory_space<vmem_shared>>) target(%dma_start3A_39 : memref<640x128xf32, #tpu.memory_space<hbm>>) target_semaphore(%run_scoped3A : memref<!tpu.dma_semaphore, #tpu.memory_space<semaphore_mem>>)
      %dma_wait3A = arith.constant 0 : i32
      %dma_wait3A_42 = tpu.memref_slice %arg5[%arg0, %mul3A_37, %dma_wait3A] : memref<2x10240x128xf32, #tpu.memory_space<hbm>> -> memref<1x640x128xf32, #tpu.memory_space<hbm>>
      %dma_wait3A_43 = tpu.memref_squeeze %dma_wait3A_42 : memref<1x640x128xf32, #tpu.memory_space<hbm>> -> memref<640x128xf32, #tpu.memory_space<hbm>>
      %dma_wait3A_44 = arith.constant 0 : i32
      %dma_wait3A_45 = tpu.memref_slice %arg10[%mul3A_35, %dma_wait3A_44] : memref<10240x128xf32, #tpu.memory_space<vmem_shared>> -> memref<640x128xf32, #tpu.memory_space<vmem_shared>>
      tpu.wait_dma2 semaphore(%run_scoped3A : memref<!tpu.dma_semaphore, #tpu.memory_space<semaphore_mem>>) src(%dma_wait3A_45 : memref<640x128xf32, #tpu.memory_space<vmem_shared>>) dst(%dma_wait3A_43 : memref<640x128xf32, #tpu.memory_space<hbm>>)
      tpu.yield
    }) : () -> ()
    return
  }
}

module attributes {stable_mosaic.version = 14 : i64} {
  func.func @_tca_body(%arg0: i32, %arg1: memref<2x128x128xf32, #tpu.memory_space<vmem>>, %arg2: memref<128x128xf32, #tpu.memory_space<vmem>>, %arg3: memref<128x128xf32, #tpu.memory_space<vmem>>, %arg4: memref<128x128xf32, #tpu.memory_space<vmem>>, %arg5: memref<128x1xf32, #tpu.memory_space<vmem>>) attributes {dimension_semantics = [#tpu.dimension_semantics<arbitrary>], iteration_bounds = array<i64: 80>, scalar_prefetch = 0 : i64, scratch_operands = 0 : i64, tpu.core_type = #tpu.core_type<tc>, window_params = [{transform_indices = @transform_0, window_bounds = array<i64: 2, 128, 128>}, {transform_indices = @transform_1, window_bounds = array<i64: 128, 128>}, {pipeline_mode = #tpu.pipeline_mode<synchronous>, transform_indices = @transform_2, window_bounds = array<i64: 128, 128>}, {transform_indices = @transform_3, window_bounds = array<i64: 128, 128>}, {transform_indices = @transform_4, window_bounds = array<i64: 128, 1>}]} {
    %get3A = arith.constant 0 : index
    %get3A_0 = arith.constant 0 : index
    %get3A_1 = arith.constant 0 : index
    %get3A_2 = vector.load %arg1[%get3A, %get3A_0, %get3A_1] : memref<2x128x128xf32, #tpu.memory_space<vmem>>, vector<1x128x1xf32>
    %get3A_3 = vector.shape_cast %get3A_2 : vector<1x128x1xf32> to vector<128x1xf32>
    %get3A_4 = arith.constant 1 : index
    %get3A_5 = arith.constant 0 : index
    %get3A_6 = arith.constant 0 : index
    %get3A_7 = vector.load %arg1[%get3A_4, %get3A_5, %get3A_6] : memref<2x128x128xf32, #tpu.memory_space<vmem>>, vector<1x128x1xf32>
    %get3A_8 = vector.shape_cast %get3A_7 : vector<1x128x1xf32> to vector<128x1xf32>
    %add3A = arith.addf %get3A_3, %get3A_8 : vector<128x1xf32>
    %add3A_9 = arith.constant 1.000000e+00 : f32
    %add3A_10 = vector.broadcast %add3A_9 : f32 to vector<128x1xf32>
    %add3A_11 = arith.addf %add3A, %add3A_10 : vector<128x1xf32>
    %rsqrt3A = math.rsqrt %add3A_11 : vector<128x1xf32>
    %get3A_12 = arith.constant 0 : index
    %get3A_13 = arith.constant 0 : index
    %get3A_14 = vector.load %arg2[%get3A_12, %get3A_13] : memref<128x128xf32, #tpu.memory_space<vmem>>, vector<128x128xf32>
    %get3A_15 = arith.constant 0 : index
    %get3A_16 = arith.constant 0 : index
    %get3A_17 = vector.load %arg3[%get3A_15, %get3A_16] : memref<128x128xf32, #tpu.memory_space<vmem>>, vector<128x128xf32>
    %dot_general3A = arith.constant dense<0.000000e+00> : vector<128x128xf32>
    %dot_general3A_18 = tpu.matmul %get3A_14, %get3A_17, %dot_general3A {dimension_numbers = #tpu.dot_dimension_numbers<[1], [0], [0], [1], [0, 0, 1, 1], [], []>, transpose_lhs_hint = false} : vector<128x128xf32>, vector<128x128xf32>, vector<128x128xf32> -> vector<128x128xf32>
    %mul3A = vector.broadcast %rsqrt3A : vector<128x1xf32> to vector<128x128xf32>
    %mul3A_19 = arith.mulf %dot_general3A_18, %mul3A : vector<128x128xf32>
    %swap3A = arith.constant 0 : index
    %swap3A_20 = arith.constant 0 : index
    %swap3A_21 = vector.load %arg4[%swap3A, %swap3A_20] : memref<128x128xf32, #tpu.memory_space<vmem>>, vector<128x128xf32>
    tpu.vector_store %arg4[%swap3A, %swap3A_20], %mul3A_19 {strides = array<i32>} : memref<128x128xf32, #tpu.memory_space<vmem>>, vector<128x128xf32>,
    %swap3A_22 = arith.constant 0 : index
    %swap3A_23 = arith.constant 0 : index
    %swap3A_24 = vector.load %arg5[%swap3A_22, %swap3A_23] : memref<128x1xf32, #tpu.memory_space<vmem>>, vector<128x1xf32>
    tpu.vector_store %arg5[%swap3A_22, %swap3A_23], %rsqrt3A {strides = array<i32>} : memref<128x1xf32, #tpu.memory_space<vmem>>, vector<128x1xf32>,
    return
  }
  func.func @transform_0(%arg0: i32) -> (i32, i32, i32) {
    %c0_i32 = arith.constant 0 : i32
    %c0_i32_0 = arith.constant 0 : i32
    %c0_i32_1 = arith.constant 0 : i32
    return %c0_i32, %arg0, %c0_i32_0 : i32, i32, i32
  }
  func.func @transform_1(%arg0: i32) -> (i32, i32) {
    %c0_i32 = arith.constant 0 : i32
    %c0_i32_0 = arith.constant 0 : i32
    return %arg0, %c0_i32 : i32, i32
  }
  func.func @transform_2(%arg0: i32) -> (i32, i32) {
    %c0_i32 = arith.constant 0 : i32
    %c0_i32_0 = arith.constant 0 : i32
    %c0_i32_1 = arith.constant 0 : i32
    return %c0_i32, %c0_i32_0 : i32, i32
  }
  func.func @transform_3(%arg0: i32) -> (i32, i32) {
    %c0_i32 = arith.constant 0 : i32
    %c0_i32_0 = arith.constant 0 : i32
    return %arg0, %c0_i32 : i32, i32
  }
  func.func @transform_4(%arg0: i32) -> (i32, i32) {
    %c0_i32 = arith.constant 0 : i32
    %c0_i32_0 = arith.constant 0 : i32
    return %arg0, %c0_i32 : i32, i32
  }
}

module attributes {stable_mosaic.version = 14 : i64} {
  func.func @_tcb_body(%arg0: i32, %arg1: memref<2x128x128xf32, #tpu.memory_space<vmem>>, %arg2: memref<128x128xf32, #tpu.memory_space<vmem>>, %arg3: memref<128x1xf32, #tpu.memory_space<vmem>>, %arg4: memref<1x128xf32, #tpu.memory_space<vmem>>, %arg5: memref<128x128xf32, #tpu.memory_space<vmem>>, %arg6: memref<128x128xf32, #tpu.memory_space<vmem>>) attributes {dimension_semantics = [#tpu.dimension_semantics<arbitrary>], iteration_bounds = array<i64: 80>, scalar_prefetch = 0 : i64, scratch_operands = 0 : i64, tpu.core_type = #tpu.core_type<tc>, window_params = [{transform_indices = @transform_0, window_bounds = array<i64: 2, 128, 128>}, {transform_indices = @transform_1, window_bounds = array<i64: 128, 128>}, {transform_indices = @transform_2, window_bounds = array<i64: 128, 1>}, {pipeline_mode = #tpu.pipeline_mode<synchronous>, transform_indices = @transform_3, window_bounds = array<i64: 1, 128>}, {pipeline_mode = #tpu.pipeline_mode<synchronous>, transform_indices = @transform_4, window_bounds = array<i64: 128, 128>}, {transform_indices = @transform_5, window_bounds = array<i64: 128, 128>}]} {
    %get3A = arith.constant 0 : index
    %get3A_0 = arith.constant 0 : index
    %get3A_1 = arith.constant 0 : index
    %get3A_2 = vector.load %arg1[%get3A, %get3A_0, %get3A_1] : memref<2x128x128xf32, #tpu.memory_space<vmem>>, vector<1x128x128xf32>
    %get3A_3 = vector.shape_cast %get3A_2 : vector<1x128x128xf32> to vector<128x128xf32>
    %get3A_4 = arith.constant 1 : index
    %get3A_5 = arith.constant 0 : index
    %get3A_6 = arith.constant 0 : index
    %get3A_7 = vector.load %arg1[%get3A_4, %get3A_5, %get3A_6] : memref<2x128x128xf32, #tpu.memory_space<vmem>>, vector<1x128x128xf32>
    %get3A_8 = vector.shape_cast %get3A_7 : vector<1x128x128xf32> to vector<128x128xf32>
    %add3A = arith.addf %get3A_3, %get3A_8 : vector<128x128xf32>
    %get3A_9 = arith.constant 0 : index
    %get3A_10 = arith.constant 0 : index
    %get3A_11 = vector.load %arg2[%get3A_9, %get3A_10] : memref<128x128xf32, #tpu.memory_space<vmem>>, vector<128x128xf32>
    %add3A_12 = arith.addf %add3A, %get3A_11 : vector<128x128xf32>
    %get3A_13 = arith.constant 0 : index
    %get3A_14 = arith.constant 0 : index
    %get3A_15 = vector.load %arg3[%get3A_13, %get3A_14] : memref<128x1xf32, #tpu.memory_space<vmem>>, vector<128x1xf32>
    %mul3A = vector.broadcast %get3A_15 : vector<128x1xf32> to vector<128x128xf32>
    %mul3A_16 = arith.mulf %add3A_12, %mul3A : vector<128x128xf32>
    %get3A_17 = arith.constant 0 : index
    %get3A_18 = arith.constant 0 : index
    %get3A_19 = vector.load %arg4[%get3A_17, %get3A_18] : memref<1x128xf32, #tpu.memory_space<vmem>>, vector<1x128xf32>
    %add3A_20 = vector.broadcast %get3A_19 : vector<1x128xf32> to vector<128x128xf32>
    %add3A_21 = arith.addf %mul3A_16, %add3A_20 : vector<128x128xf32>
    %max3A = arith.constant 0.000000e+00 : f32
    %max3A_22 = vector.broadcast %max3A : f32 to vector<128x128xf32>
    %max3A_23 = arith.maximumf %add3A_21, %max3A_22 : vector<128x128xf32>
    %get3A_24 = arith.constant 0 : index
    %get3A_25 = arith.constant 0 : index
    %get3A_26 = vector.load %arg5[%get3A_24, %get3A_25] : memref<128x128xf32, #tpu.memory_space<vmem>>, vector<128x128xf32>
    %dot_general3A = arith.constant dense<0.000000e+00> : vector<128x128xf32>
    %dot_general3A_27 = tpu.matmul %max3A_23, %get3A_26, %dot_general3A {dimension_numbers = #tpu.dot_dimension_numbers<[1], [0], [0], [1], [0, 0, 1, 1], [], []>, transpose_lhs_hint = false} : vector<128x128xf32>, vector<128x128xf32>, vector<128x128xf32> -> vector<128x128xf32>
    %get3A_28 = arith.constant 0 : index
    %get3A_29 = arith.constant 0 : index
    %get3A_30 = vector.load %arg3[%get3A_28, %get3A_29] : memref<128x1xf32, #tpu.memory_space<vmem>>, vector<128x1xf32>
    %mul3A_31 = vector.broadcast %get3A_30 : vector<128x1xf32> to vector<128x128xf32>
    %mul3A_32 = arith.mulf %dot_general3A_27, %mul3A_31 : vector<128x128xf32>
    %swap3A = arith.constant 0 : index
    %swap3A_33 = arith.constant 0 : index
    %swap3A_34 = vector.load %arg6[%swap3A, %swap3A_33] : memref<128x128xf32, #tpu.memory_space<vmem>>, vector<128x128xf32>
    tpu.vector_store %arg6[%swap3A, %swap3A_33], %mul3A_32 {strides = array<i32>} : memref<128x128xf32, #tpu.memory_space<vmem>>, vector<128x128xf32>,
    return
  }
  func.func @transform_0(%arg0: i32) -> (i32, i32, i32) {
    %c0_i32 = arith.constant 0 : i32
    %c0_i32_0 = arith.constant 0 : i32
    %c0_i32_1 = arith.constant 0 : i32
    return %c0_i32, %arg0, %c0_i32_0 : i32, i32, i32
  }
  func.func @transform_1(%arg0: i32) -> (i32, i32) {
    %c0_i32 = arith.constant 0 : i32
    %c0_i32_0 = arith.constant 0 : i32
    return %arg0, %c0_i32 : i32, i32
  }
  func.func @transform_2(%arg0: i32) -> (i32, i32) {
    %c0_i32 = arith.constant 0 : i32
    %c0_i32_0 = arith.constant 0 : i32
    return %arg0, %c0_i32 : i32, i32
  }
  func.func @transform_3(%arg0: i32) -> (i32, i32) {
    %c0_i32 = arith.constant 0 : i32
    %c0_i32_0 = arith.constant 0 : i32
    %c0_i32_1 = arith.constant 0 : i32
    return %c0_i32, %c0_i32_0 : i32, i32
  }
  func.func @transform_4(%arg0: i32) -> (i32, i32) {
    %c0_i32 = arith.constant 0 : i32
    %c0_i32_0 = arith.constant 0 : i32
    %c0_i32_1 = arith.constant 0 : i32
    return %c0_i32, %c0_i32_0 : i32, i32
  }
  func.func @transform_5(%arg0: i32) -> (i32, i32) {
    %c0_i32 = arith.constant 0 : i32
    %c0_i32_0 = arith.constant 0 : i32
    return %arg0, %c0_i32 : i32, i32
  }
}

module attributes {stable_mosaic.version = 14 : i64} {
  func.func @_tcc_body(%arg0: i32, %arg1: memref<2x128x128xf32, #tpu.memory_space<vmem>>, %arg2: memref<128x128xf32, #tpu.memory_space<vmem>>, %arg3: memref<128x1xf32, #tpu.memory_space<vmem>>, %arg4: memref<1x128xf32, #tpu.memory_space<vmem>>, %arg5: memref<128x128xf32, #tpu.memory_space<vmem>>) attributes {dimension_semantics = [#tpu.dimension_semantics<arbitrary>], iteration_bounds = array<i64: 80>, scalar_prefetch = 0 : i64, scratch_operands = 0 : i64, tpu.core_type = #tpu.core_type<tc>, window_params = [{transform_indices = @transform_0, window_bounds = array<i64: 2, 128, 128>}, {transform_indices = @transform_1, window_bounds = array<i64: 128, 128>}, {transform_indices = @transform_2, window_bounds = array<i64: 128, 1>}, {pipeline_mode = #tpu.pipeline_mode<synchronous>, transform_indices = @transform_3, window_bounds = array<i64: 1, 128>}, {transform_indices = @transform_4, window_bounds = array<i64: 128, 128>}]} {
    %get3A = arith.constant 0 : index
    %get3A_0 = arith.constant 0 : index
    %get3A_1 = arith.constant 0 : index
    %get3A_2 = vector.load %arg1[%get3A, %get3A_0, %get3A_1] : memref<2x128x128xf32, #tpu.memory_space<vmem>>, vector<1x128x128xf32>
    %get3A_3 = vector.shape_cast %get3A_2 : vector<1x128x128xf32> to vector<128x128xf32>
    %get3A_4 = arith.constant 1 : index
    %get3A_5 = arith.constant 0 : index
    %get3A_6 = arith.constant 0 : index
    %get3A_7 = vector.load %arg1[%get3A_4, %get3A_5, %get3A_6] : memref<2x128x128xf32, #tpu.memory_space<vmem>>, vector<1x128x128xf32>
    %get3A_8 = vector.shape_cast %get3A_7 : vector<1x128x128xf32> to vector<128x128xf32>
    %add3A = arith.addf %get3A_3, %get3A_8 : vector<128x128xf32>
    %get3A_9 = arith.constant 0 : index
    %get3A_10 = arith.constant 0 : index
    %get3A_11 = vector.load %arg2[%get3A_9, %get3A_10] : memref<128x128xf32, #tpu.memory_space<vmem>>, vector<128x128xf32>
    %add3A_12 = arith.addf %add3A, %get3A_11 : vector<128x128xf32>
    %get3A_13 = arith.constant 0 : index
    %get3A_14 = arith.constant 0 : index
    %get3A_15 = vector.load %arg3[%get3A_13, %get3A_14] : memref<128x1xf32, #tpu.memory_space<vmem>>, vector<128x1xf32>
    %mul3A = vector.broadcast %get3A_15 : vector<128x1xf32> to vector<128x128xf32>
    %mul3A_16 = arith.mulf %add3A_12, %mul3A : vector<128x128xf32>
    %get3A_17 = arith.constant 0 : index
    %get3A_18 = arith.constant 0 : index
    %get3A_19 = vector.load %arg4[%get3A_17, %get3A_18] : memref<1x128xf32, #tpu.memory_space<vmem>>, vector<1x128xf32>
    %add3A_20 = vector.broadcast %get3A_19 : vector<1x128xf32> to vector<128x128xf32>
    %add3A_21 = arith.addf %mul3A_16, %add3A_20 : vector<128x128xf32>
    %max3A = arith.constant 0.000000e+00 : f32
    %max3A_22 = vector.broadcast %max3A : f32 to vector<128x128xf32>
    %max3A_23 = arith.maximumf %add3A_21, %max3A_22 : vector<128x128xf32>
    %swap3A = arith.constant 0 : index
    %swap3A_24 = arith.constant 0 : index
    %swap3A_25 = vector.load %arg5[%swap3A, %swap3A_24] : memref<128x128xf32, #tpu.memory_space<vmem>>, vector<128x128xf32>
    tpu.vector_store %arg5[%swap3A, %swap3A_24], %max3A_23 {strides = array<i32>} : memref<128x128xf32, #tpu.memory_space<vmem>>, vector<128x128xf32>,
    return
  }
  func.func @transform_0(%arg0: i32) -> (i32, i32, i32) {
    %c0_i32 = arith.constant 0 : i32
    %c0_i32_0 = arith.constant 0 : i32
    %c0_i32_1 = arith.constant 0 : i32
    return %c0_i32, %arg0, %c0_i32_0 : i32, i32, i32
  }
  func.func @transform_1(%arg0: i32) -> (i32, i32) {
    %c0_i32 = arith.constant 0 : i32
    %c0_i32_0 = arith.constant 0 : i32
    return %arg0, %c0_i32 : i32, i32
  }
  func.func @transform_2(%arg0: i32) -> (i32, i32) {
    %c0_i32 = arith.constant 0 : i32
    %c0_i32_0 = arith.constant 0 : i32
    return %arg0, %c0_i32 : i32, i32
  }
  func.func @transform_3(%arg0: i32) -> (i32, i32) {
    %c0_i32 = arith.constant 0 : i32
    %c0_i32_0 = arith.constant 0 : i32
    %c0_i32_1 = arith.constant 0 : i32
    return %c0_i32, %c0_i32_0 : i32, i32
  }
  func.func @transform_4(%arg0: i32) -> (i32, i32) {
    %c0_i32 = arith.constant 0 : i32
    %c0_i32_0 = arith.constant 0 : i32
    return %arg0, %c0_i32 : i32, i32
  }
}

</mosaic_0001>

<sc_bundles>
// kernel: kernel.11.cloned.1.call-start
scs
__scs_entry_jumppad:
0x0: {  	(pc) =	sbr.rel $0x88, $3  }
0x1: {  	(tag) =	ssettag $0x0;
	lr =	simm.s32 $0x1  }
0x2: {  	[smem:$0x3F9B] =	sst lr;
	_ =	strace $0xD0000000  }
0x3: {  	_ = 	snop  }
0x4: {  	_ = 	snop  }
0x5: {  	_ = 	snop  }
0x6: {  	_ = 	snop  }
0x7: {  	_ = 	snop  }
__scs_overlays_trampoline_lowered:
0x8: {  	[smem:$0x3FAA] =	sst s0  }
0x9: {  	[smem:$0x3FAB] =	sst s1  }
0xa: {  	[smem:$0x3FAC] =	sst s2  }
0xb: {  	[smem:$0x3FAD] =	sst s3  }
0xc: {  	[smem:$0x3FAE] =	sst s4  }
0xd: {  	[smem:$0x3FAF] =	sst s5  }
0xe: {  	[smem:$0x3FB0] =	sst s6  }
0xf: {  	[smem:$0x3FB1] =	sst s7  }
0x10: {  	[smem:$0x3FB2] =	sst s8  }
0x11: {  	[smem:$0x3FB3] =	sst s9;
	s0 =	simm.s32 @!p0 $0x0  }
0x12: {  	s1 =	sld [smem:$0x3F99];
	s0 =	simm.s32 @p0 $0x1  }
0x13: {  	[smem:$0x3FB4] =	sst s0;
	s0 =	simm.s32 @!p1 $0x0  }
0x14: {  	s2 =	sld [smem:$0x3F98];
	s0 =	simm.s32 @p1 $0x1  }
0x15: {  	[smem:$0x3FB5] =	sst s0;
	s0 =	simm.s32 @!p2 $0x0  }
0x16: {  	s3 =	sld [smem:$0x3FDB];
	s0 =	simm.s32 @p2 $0x1  }
0x17: {  	s4 =	simm.s32 $0x1BF5;
	[smem:$0x3FB7] =	sst s0  }
0x18: {  	s0 =	sld [smem:$0x3F9A];
	_ =	swait.ge [sflag:s4], $0x0  }
0x19: {  	s7 =	sld [smem:$0x3F9B]  }
0x1a: {  	s8 =	sadd.s32 $0xFFFFE003, lr  }
0x1b: {  	s9 =	sadd.s32 $0xFFFFFEF7, lr;
	s5 =	simm.s32 $0xFFFFFFFF;
	p2 =	slt.u32 s8, $0xFFFFF086  }
0x1c: {  	p1 =	slt.u32 s9, $0xF7A;
	s5 =	simm.s32 @!p2 $0x0  }
0x1d: {  	s5 =	simm.s32 @p1 $0x1;
	p0 =	seq.s32 s7, s2  }
0x1e: {  	s7 =	smul.u32 @!p0 $0xF7A, s2;
	p2 =	seq.s32 @!p0 s5, $0x0  }
0x1f: {  	s9 =	smul.u32 $0xF7A, s1;
	s8 =	simm.s32 @!p0 $0x1BF5;
	p2 =	por !p2, p0  }
0x20: {  	[sflag:s8] =	ssyncset.s32 @!p0 $0xFFFFF086;
	s6 =	sadd.s32 @!p0 s3, s7;
	s7 =	simm.s32 @!p0 $0x108  }
0x21: {  	s3 =	sadd.s32 s3, s9;
	s6 =	sadd.s32 @!p0 $0x88, s6;
	s7 =	simm.s32 @p2 $0x1082  }
0x22: {  	[simem:s7], [sflag:s8] =	dma.local @!p0 [hbm:s6], $0xF7A  }
0x23: {  	s9 =	sor.u32 $0xD0000000, s2;
	s6 =	simm.s32 $0x108;
	_ =	swait.ge @!p0 [sflag:s8], $0x0  }
0x24: {  	s3 =	sadd.s32 $0x88, s3;
	s6 =	simm.s32 @!p1 $0x1082;
	[sflag:s4] =	ssyncset.s32 $0xFFFFF086  }
0x25: {  	[simem:s6], [sflag:s4] =	dma.local [hbm:s3], $0xF7A  }
0x26: {  	[smem:$0x3F9B] =	sst s1;
	(tag) =	ssettag s2;
	_ =	strace s9  }
0x27: {  	s1 =	sld [smem:$0x3FAB]  }
0x28: {  	s2 =	sld [smem:$0x3FAC]  }
0x29: {  	s4 =	sld [smem:$0x3FAE]  }
0x2a: {  	p0 =	seq.s32 s5, $0x0;
	s5 =	sld [smem:$0x3FAF]  }
0x2b: {  	s6 =	sld [smem:$0x3FB0]  }
0x2c: {  	s7 =	sld [smem:$0x3FB1]  }
0x2d: {  	s3 =	simm.s32 $0x108;
	s8 =	sld [smem:$0x3FB2]  }
0x2e: {  	s3 =	simm.s32 @!p0 $0x1082;
	s9 =	sld [smem:$0x3FB3]  }
0x2f: {  	lr =	sadd.s32 s0, s3;
	s0 =	sld [smem:$0x3FAA]  }
0x30: {  	s3 =	sld [smem:$0x3FAD]  }
0x31: {  	[smem:$0x3FB6] =	sst s10  }
0x32: {  	s10 =	sld [smem:$0x3FB4];
	_ =	sdelay $0x3  }
0x33: {  	p0 =	seq.s32 s10, $0x1;
	s10 =	sld [smem:$0x3FB6];
	_ =	sdelay $0x3  }
0x34: {  	[smem:$0x3FB6] =	sst s10  }
0x35: {  	s10 =	sld [smem:$0x3FB5];
	_ =	sdelay $0x3  }
0x36: {  	p1 =	seq.s32 s10, $0x1;
	s10 =	sld [smem:$0x3FB6];
	_ =	sdelay $0x3  }
0x37: {  	[smem:$0x3FB6] =	sst s10  }
0x38: {  	s10 =	sld [smem:$0x3FB7]  }
0x39: {  	_ = 	snop;
	(pc) =	sbr.ind lr, $3  }
0x3a: {  	_ = 	snop  }
0x3b: {  	_ = 	snop  }
0x3c: {  	p2 =	seq.s32 s10, $0x1;
	s10 =	sld [smem:$0x3FB6]  }
0x3d: {  	_ =	shalt  }
0x3e: {  	_ =	shalt  }
0x3f: {  	_ =	shalt  }
0x40: {  	_ =	shalt  }
0x41: {  	_ =	shalt  }
0x42: {  	_ =	shalt  }
0x43: {  	_ =	shalt  }
0x44: {  	_ =	shalt  }
0x45: {  	_ =	shalt  }
0x46: {  	_ =	shalt  }
0x47: {  	_ =	shalt  }
0x48: {  	_ =	shalt  }
0x49: {  	_ =	shalt  }
0x4a: {  	_ =	shalt  }
0x4b: {  	_ =	shalt  }
0x4c: {  	_ =	shalt  }
0x4d: {  	_ =	shalt  }
0x4e: {  	_ =	shalt  }
0x4f: {  	_ =	shalt  }
0x50: {  	_ =	shalt  }
0x51: {  	_ =	shalt  }
0x52: {  	_ =	shalt  }
0x53: {  	_ =	shalt  }
0x54: {  	_ =	shalt  }
0x55: {  	_ =	shalt  }
0x56: {  	_ =	shalt  }
0x57: {  	_ =	shalt  }
0x58: {  	_ =	shalt  }
0x59: {  	_ =	shalt  }
0x5a: {  	_ =	shalt  }
0x5b: {  	_ =	shalt  }
0x5c: {  	_ =	shalt  }
0x5d: {  	_ =	shalt  }
0x5e: {  	_ =	shalt  }
0x5f: {  	_ =	shalt  }
0x60: {  	_ =	shalt  }
0x61: {  	_ =	shalt  }
0x62: {  	_ =	shalt  }
0x63: {  	_ =	shalt  }
0x64: {  	_ =	shalt  }
0x65: {  	_ =	shalt  }
0x66: {  	_ =	shalt  }
0x67: {  	_ =	shalt  }
0x68: {  	_ =	shalt  }
0x69: {  	_ =	shalt  }
0x6a: {  	_ =	shalt  }
0x6b: {  	_ =	shalt  }
0x6c: {  	_ =	shalt  }
0x6d: {  	_ =	shalt  }
0x6e: {  	_ =	shalt  }
0x6f: {  	_ =	shalt  }
0x70: {  	_ =	shalt  }
0x71: {  	_ =	shalt  }
0x72: {  	_ =	shalt  }
0x73: {  	_ =	shalt  }
0x74: {  	_ =	shalt  }
0x75: {  	_ =	shalt  }
0x76: {  	_ =	shalt  }
0x77: {  	_ =	shalt  }
0x78: {  	_ =	shalt  }
0x79: {  	_ =	shalt  }
0x7a: {  	_ =	shalt  }
0x7b: {  	_ =	shalt  }
0x7c: {  	_ =	shalt  }
0x7d: {  	_ =	shalt  }
0x7e: {  	_ =	shalt  }
0x7f: {  	_ =	shalt  }
0x80: {  	_ =	shalt  }
0x81: {  	_ =	shalt  }
0x82: {  	_ =	shalt  }
0x83: {  	_ =	shalt  }
0x84: {  	_ =	shalt  }
0x85: {  	_ =	shalt  }
0x86: {  	_ =	shalt  }
0x87: {  	_ =	shalt  }
.Lfunc_end0:
.L_simem_size_0:
called_computation.1_lowered:
.L_overlay_start_0:
0x88: {  	s2 =	sld [smem:$0x3FD9]  }
0x89: {  	s3 =	sld [smem:$0x3FFE];
	_ =	sdelay $0x1  }
0x8a: {  	s1 =	srdreg.scid  }
0x8b: {  	s0 =	sand.u32 $0x1, s1  }
0x8c: {  	s17 =	sshll.u32 s0, $0xA;
	s2 =	sadd.s32 s3, s2  }
0x8d: {  	s2 =	sadd.s32 s2, s17  }
0x8e: {  	[smem:$0x3FC2] =	sst s2  }
0x8f: {  	_ = 	snop  }
0x90: {  	s2 =	sld [smem:$0x3FD0];
	(tm) =	ssettm $0x1  }
0x91: {  	s18 =	sld [smem:$0x3FFB];
	_ =	sdelay $0x3  }
0x92: {  	_ =	strace s18  }
0x93: {  	s3 =	sld [smem:$0x3FFC];
	_ =	sdelay $0x3  }
0x94: {  	_ =	strace s3  }
0x95: {  	s3 =	sld [smem:$0x3FFD];
	_ =	sdelay $0x3  }
0x96: {  	_ =	strace s3  }
0x97: {  	_ =	strace $0x8FFFFFFF  }
0x98: {  	s19 =	sld [smem:$0x3FDB];
	_ =	sdelay $0x1  }
0x99: {  	s4 =	simm.s32 $_scs_section_size  }
0x9a: {  	s5 =	simm.s32 $_size__tile_overlayer_lowered;
	s6 =	simm.s32 $_tile_overlayer_lowered  }
0x9b: {  	s22 =	simm.s32 $0x1BFF;
	s21 =	sshll.u32 s6, $0x1;
	s3 =	sadd.s32 s4, s19  }
0x9c: {  	s7 =	simm.s32 $0x0;
	s20 =	sshll.u32 s5, $0x1;
	s5 =	sadd.s32 s21, s3  }
0x9d: {  	[timem:s7], [sflag:s22] =	dma.local [hbm:s5], s20  }
0x9e: {  	_ =	swait.ge [sflag:s22], s20  }
0x9f: {  	s4 =	ssub.s32 $0x0, s20;
	[sflag:s22] =	ssyncset.done $0x0  }
0xa0: {  	[sflag:s22] =	ssyncadd.s32 s4;
	_ =	sdelay $0x1  }
0xa1: {  	s23 =	simm.s32 $0x1B8B  }
0xa2: {  	_ =	swait.ge [sflag:s23], $0x1  }
0xa3: {  	[sflag:s23] =	ssyncset.done $0x0  }
0xa4: {  	s25 =	simm.s32 $0x1B8E;
	s24 =	sld [smem:$0x3FFE];
	[sflag:s23] =	ssyncadd.s32 $0xFFFFFFFF  }
0xa5: {  	s26 =	simm.s32 $execute0_lowered;
	[smem:$0x3FD2] =	sst s25  }
0xa6: {  	s5 =	sshll.u32 s26, $0x1;
	_ =	strace $0x80000049;
	[dreg:$0x1] =	wrdreg $0xFFFFFFFF  }
0xa7: {  	s28 =	simm.s32 $_size_execute0_lowered;
	s3 =	sadd.s32 s3, s5;
	[dreg:$0x0] =	wrdreg $0x0  }
0xa8: {  	s5 =	sshll.u32 s28, $0x1;
	[dreg:$0x2] =	wrdreg s3  }
0xa9: {  	[dreg:$0x3] =	wrdreg s5  }
0xaa: {  	[dreg:$0x4] =	wrdreg $0xC0  }
0xab: {  	_ =	task [dreg:s7], $0x5FFFF  }
0xac: {  	[dreg:$0x1] =	wrdreg $0xFFFFFFFF  }
0xad: {  	[dreg:$0x0] =	wrdreg $0x60  }
0xae: {  	[dreg:$0x2] =	wrdreg s2  }
0xaf: {  	[dreg:$0x3] =	wrdreg s24  }
0xb0: {  	[dreg:$0x4] =	wrdreg $0x41000  }
0xb1: {  	[dreg:$0x5] =	wrdreg $0x9  }
0xb2: {  	_ =	task.clear_ibuf [dreg:s7], $0x6FFFF;
	_ =	strace $0x90000049  }
0xb3: {  	s29 =	simm.s32 $0x9;
	_ =	strace $0x8000004B  }
0xb4: {  	_ =	swait.ge [sflag:s29], $0x1  }
0xb5: {  	[sflag:s29] =	ssyncadd.s32 $0xFFFFFFFF  }
0xb6: {  	_ =	strace $0x9000004B  }
0xb7: {  	_ =	sfence  }
0xb8: {  	s30 =	sld [smem:$0x0];
	_ =	sdelay $0x2  }
0xb9: {  	s31 =	sshll.u32 s1, $0xD;
	s1 =	sshrl.u32 s1, $0x2  }
0xba: {  	s3 =	sand.u32 $0x4000, s31;
	s1 =	sadd.s32 s1, s30  }
0xbb: {  	s0 =	sor.u32 s3, s0;
	s1 =	sshll.u32 s1, $0x11  }
0xbc: {  	s0 =	sor.u32 s1, s0  }
0xbd: {  	s0 =	sadd.s32 $0x8F2B, s0  }
0xbe: {  	[sflag:s0] =	ssyncadd.remote.s32 $0x1  }
0xbf: {  	_ =	sfence.sel $0xFFFF  }
0xc0: {  	[dreg:$0x0] =	wrdreg $0xFFFFFFFF;
	(pc) =	sbr.abs _section_cstart, $3  }
0xc1: {  	[dreg:$0x1] =	wrdreg $0xFFFFFFFF  }
0xc2: {  	_ =	task.clear_ibuf [dreg:s7], $0x2FFFF;
	_ =	strace $0x9FFFFFFF  }
0xc3: {  	(tm) =	ssettm $0x7FFFFFFF  }
tec
execute0_lowered:
.L_overlay_start_1:
0x0: {  	(tag) =	ssettag $0x1  }
0x1: {  	s13 =	rddreg [dreg:$0x0]  }
0x2: {  	s5 =	rddreg [dreg:$0x1]  }
0x3: {  	s0 =	srdreg.scid;
	s2 =	stileid.u32  }
0x4: {  	s1 =	rddreg [dreg:$0x2];
	s3 =	simm.s32 $0x0;
	s7 =	smul.u32 $0x14000, s2  }
0x5: {  	s17 =	simm.s32 $0x1;
	s20 =	simm.s32 $0x0;
	s8 =	smul.u32 $0x50000, s2  }
0x6: {  	s6 =	sand.u32 $0x1, s0;
	s0 =	rddreg [dreg:$0x3];
	s15 =	smul.u32 $0x4F0, s2  }
0x7: {  	[smem:$0x7FF] =	sst s3;
	s18 =	sshll.u32 s2, $0x6;
	s14 =	smul.u32 $0x4F00, s6  }
0x8: {  	s4 =	smul.u32 $0x140000, s6;
	_ =	strace $0x8000004A;
	s6 =	ssub.s32 $0x2, s6  }
0x9: {  	s18 =	sor.u32 $0x1C02, s18;
	s30 =	sshrl.u32 s6, $0x1;
	s31 =	sshrl.u32 s8, $0x2  }
0xa: {  	s11 =	sadd.s32 s14, s5;
	s7 =	sadd.s32 s7, s4;
	s4 =	sadd.s32 $0xBC00, s5  }
0xb: {  	s12 =	ssub.s32 s6, s30;
	s13 =	sadd.s32 s14, s13;
	s14 =	simm.s32 $0x100  }
0xc: {  	s7 =	sshrl.u32 s7, $0x3;
	s16 =	sadd.s32 s15, s11;
	s11 =	smax.u32 s12, $0x1  }
0xd: {  	s13 =	sadd.s32 s15, s13;
	s15 =	simm.s32 $0x2;
	s10 =	sadd.s32 s7, s5  }
0xe: {  	s5 =	sadd.s32 s31, s1;
	s12 =	sadd.s32 $0x1E00, s16;
	s16 =	simm.s32 $0x80  }
0xf: {  	s6 =	sadd.s32 $0x4000, s5;
	s7 =	sadd.s32 $0x8000, s5;
	s8 =	sadd.s32 $0xC000, s5  }
0x10: {  	v0 =	vimm.f32 $0.0e+00;
	s9 =	sadd.s32 $0x10000, s5;
	s10 =	sadd.s32 $0x33C00, s10;
	s19 =	sshrl.u32 s5, $0x3  }
.LBB2_1:
0x11: {  	s21 =	sand.u32 $0xFE00, s3  }
0x12: {  	s22 =	sand.u32 $0x70, s3;
	s23 =	sshrl.u32 s21, $0x2  }
0x13: {  	s21 =	simm.s32 $0x40;
	s23 =	sor.u32 s22, s23;
	s22 =	simm.s32 $0x0  }
.LBB2_2:
0x14: {  	p0 =	sne.s32 s21, $0xFFC0  }
0x15: {  	[tilespmem:s23+$0x100] =	vst v0;
	s22 =	sadd.s32 $0x10, s22;
	s23 =	smov.u32 s21;
	s21 =	sadd.s32 $0x40, s21  }
.Ltmp0:
0x16: {  	(pc) =	sbr.rel @p0 .LBB2_2-.Ltmp0, $4  }
0x17: {  	_ = 	snop  }
0x18: {  	s23 =	sand.u32 $0xFE00, s23  }
0x19: {  	s24 =	sand.u32 $0x70, s22;
	s23 =	sshrl.u32 s23, $0x2  }
0x1a: {  	s23 =	sor.u32 s24, s23  }
0x1b: {  	[tilespmem:s23+$0x100] =	vst v0  }
0x1c: {  	[spmem:s5] =	stream.linear.scatter [tilespmem:s14], [sflag:$0x2], $0x4000, $0x38;
	[tilespmem:$0x18100] =	vst v63  }
0x1d: {  	_ =	swait.ge [sflag:s15], $0x4000  }
0x1e: {  	[sflag:s15] =	ssyncset.done $0x0  }
0x1f: {  	[sflag:s15] =	ssyncadd.s32 $0xFFFFC000  }
0x20: {  	[spmem:s6] =	stream.linear.scatter [tilespmem:s14], [sflag:$0x2], $0x4000, $0x38;
	[tilespmem:$0x18100] =	vst v63  }
0x21: {  	_ =	swait.ge [sflag:s15], $0x4000  }
0x22: {  	[sflag:s15] =	ssyncset.done $0x0  }
0x23: {  	[sflag:s15] =	ssyncadd.s32 $0xFFFFC000  }
0x24: {  	[spmem:s7] =	stream.linear.scatter [tilespmem:s14], [sflag:$0x2], $0x4000, $0x38;
	[tilespmem:$0x18100] =	vst v63  }
0x25: {  	_ =	swait.ge [sflag:s15], $0x4000  }
0x26: {  	[sflag:s15] =	ssyncset.done $0x0  }
0x27: {  	[sflag:s15] =	ssyncadd.s32 $0xFFFFC000  }
0x28: {  	[spmem:s8] =	stream.linear.scatter [tilespmem:s14], [sflag:$0x2], $0x4000, $0x38;
	[tilespmem:$0x18100] =	vst v63  }
0x29: {  	_ =	swait.ge [sflag:s15], $0x4000  }
0x2a: {  	[sflag:s15] =	ssyncset.done $0x0  }
0x2b: {  	[sflag:s15] =	ssyncadd.s32 $0xFFFFC000  }
0x2c: {  	[spmem:s9] =	stream.linear.scatter [tilespmem:s14], [sflag:$0x2], $0x4000, $0x38;
	[tilespmem:$0x18100] =	vst v63  }
0x2d: {  	_ =	swait.ge [sflag:s15], $0x4000  }
0x2e: {  	[sflag:s15] =	ssyncset.done $0x0  }
0x2f: {  	[sflag:s15] =	ssyncadd.s32 $0xFFFFC000  }
0x30: {  	s21 =	sadd.s32 $0x0, s13;
	[bflag:$0x0] =	sbarrier.arrive $0xFFFF  }
0x31: {  	[tilespmem:s3], [sflag:$0x2] =	stream.linear.gather [hbm4b:s21+s3], $0x80, $0x38;
	[tilespmem:$0x18100] =	vst v63  }
0x32: {  	_ =	swait.ge [sflag:s15], $0x80  }
0x33: {  	[sflag:s15] =	ssyncset.done $0x0  }
0x34: {  	s31 =	sadd.s32 $0x0, s12;
	[sflag:s15] =	ssyncadd.s32 $0xFFFFFF80  }
0x35: {  	[tilespmem:s16], [sflag:$0x2] =	stream.linear.gather [hbm4b:s31+s3], $0x80, $0x38;
	[tilespmem:$0x18100] =	vst v63  }
0x36: {  	_ =	swait.ge [sflag:s15], $0x80  }
0x37: {  	[sflag:s15] =	ssyncset.done $0x0  }
0x38: {  	[sflag:s15] =	ssyncadd.s32 $0xFFFFFF80  }
0x39: {  	[tilespmem:s14], [sflag:$0x1] =	stream.indirect.gather [hbm4b:s4+s16], $0x80, s3, s16, $0xb8;
	[tilespmem:$0x18100] =	vst v63  }
0x3a: {  	_ =	swait.ge [sflag:s17], $0x4000  }
0x3b: {  	[sflag:s17] =	ssyncset.done $0x0  }
0x3c: {  	[sflag:s17] =	ssyncadd.s32 $0xFFFFC000  }
0x3d: {  	[spmem:s1] =	stream.indirect.scatter.add.f32 [tilespmem:s14], [sflag:$0x2], $0x80, s16, s16, $0xb8;
	[tilespmem:$0x18100] =	vst v63  }
0x3e: {  	_ =	swait.ge [sflag:s15], $0x4000  }
0x3f: {  	s22 =	simm.s32 $0x20;
	s21 =	simm.s32 $0x10;
	[sflag:s15] =	ssyncset.done $0x0  }
.LBB2_4:
0x40: {  	s23 =	sadd.s32 s21, s13  }
0x41: {  	[sflag:s15] =	ssyncadd.s32 $0xFFFFC000;
	s24 =	smov.u32 s22;
	s25 =	sadd.s32 $0x10, s22  }
0x42: {  	[tilespmem:s3], [sflag:$0x2] =	stream.linear.gather [hbm4b:s23+s3], $0x80, $0x38;
	[tilespmem:$0x18100] =	vst v63  }
0x43: {  	p0 =	sne.s32 s22, $0x4E0;
	_ =	swait.ge [sflag:s15], $0x80  }
0x44: {  	[sflag:s15] =	ssyncset.done $0x0  }
0x45: {  	s22 =	sadd.s32 s21, s12;
	s21 =	smov.u32 s24;
	[sflag:s15] =	ssyncadd.s32 $0xFFFFFF80  }
0x46: {  	[tilespmem:s16], [sflag:$0x2] =	stream.linear.gather [hbm4b:s22+s3], $0x80, $0x38;
	[tilespmem:$0x18100] =	vst v63  }
0x47: {  	_ =	swait.ge [sflag:s15], $0x80  }
0x48: {  	[sflag:s15] =	ssyncset.done $0x0  }
0x49: {  	[sflag:s15] =	ssyncadd.s32 $0xFFFFFF80  }
0x4a: {  	[tilespmem:s14], [sflag:$0x1] =	stream.indirect.gather [hbm4b:s4+s16], $0x80, s3, s16, $0xb8;
	[tilespmem:$0x18100] =	vst v63  }
0x4b: {  	_ =	swait.ge [sflag:s17], $0x4000  }
.Ltmp1:
0x4c: {  	[sflag:s17] =	ssyncset.done $0x0;
	(pc) =	sbr.rel @p0 .LBB2_4-.Ltmp1, $4  }
0x4d: {  	[sflag:s17] =	ssyncadd.s32 $0xFFFFC000  }
0x4e: {  	[spmem:s1] =	stream.indirect.scatter.add.f32 [tilespmem:s14], [sflag:$0x2], $0x80, s16, s16, $0xb8;
	[tilespmem:$0x18100] =	vst v63  }
0x4f: {  	_ =	swait.ge [sflag:s15], $0x4000  }
0x50: {  	s22 =	smov.u32 s25;
	[sflag:s15] =	ssyncset.done $0x0  }
0x51: {  	s22 =	sadd.s32 s21, s13;
	[sflag:s15] =	ssyncadd.s32 $0xFFFFC000  }
0x52: {  	[tilespmem:s3], [sflag:$0x2] =	stream.linear.gather [hbm4b:s22+s3], $0x80, $0x38;
	[tilespmem:$0x18100] =	vst v63  }
0x53: {  	_ =	swait.ge [sflag:s15], $0x80  }
0x54: {  	[sflag:s15] =	ssyncset.done $0x0  }
0x55: {  	s31 =	sadd.s32 s21, s12;
	[sflag:s15] =	ssyncadd.s32 $0xFFFFFF80  }
0x56: {  	[tilespmem:s16], [sflag:$0x2] =	stream.linear.gather [hbm4b:s31+s3], $0x80, $0x38;
	[tilespmem:$0x18100] =	vst v63  }
0x57: {  	_ =	swait.ge [sflag:s15], $0x80  }
0x58: {  	[sflag:s15] =	ssyncset.done $0x0  }
0x59: {  	[sflag:s15] =	ssyncadd.s32 $0xFFFFFF80  }
0x5a: {  	[tilespmem:s14], [sflag:$0x1] =	stream.indirect.gather [hbm4b:s4+s16], $0x80, s3, s16, $0xb8;
	[tilespmem:$0x18100] =	vst v63  }
0x5b: {  	_ =	swait.ge [sflag:s17], $0x4000  }
0x5c: {  	[sflag:s17] =	ssyncset.done $0x0  }
0x5d: {  	[sflag:s17] =	ssyncadd.s32 $0xFFFFC000  }
0x5e: {  	[spmem:s1] =	stream.indirect.scatter.add.f32 [tilespmem:s14], [sflag:$0x2], $0x80, s16, s16, $0xb8;
	[tilespmem:$0x18100] =	vst v63  }
0x5f: {  	_ =	swait.ge [sflag:s15], $0x4000  }
0x60: {  	s20 =	sadd.s32 $0x1, s20;
	[sflag:s15] =	ssyncset.done $0x0  }
0x61: {  	p0 =	sne.s32 s20, s11;
	[sflag:s15] =	ssyncadd.s32 $0xFFFFC000  }
.Ltmp2:
0x62: {  	[bflag:$0x0] =	sbarrier.arrive $0xFFFF;
	(pc) =	sbr.rel @p0 .LBB2_1-.Ltmp2, $4  }
0x63: {  	[hbm:s10], [sflag:s18] =	dma.local [spmem:s19], $0x2800  }
0x64: {  	_ =	swait.ge [sflag:s15], $0x2800  }
0x65: {  	[sflag:s15] =	ssyncset.done $0x0  }
0x66: {  	[sflag:s15] =	ssyncadd.s32 $0xFFFFD800  }
0x67: {  	_ =	sfence.sel $0x180000  }
0x68: {  	[bflag:$0x0] =	sbarrier.arrive $0xFFFF  }
0x69: {  	p0 =	sne.s32 s2, $0x0;
	_ =	strace $0x9000004A  }
0x6a: {  	s0 =	sadd.s32 @!p0 $0x100000, s0;
	[bflag:$0x2] =	sbarrier.arrive $0xFFFF  }
0x6b: {  	[sflag:s0] =	ssyncadd.tile.s32 @!p0 $0x1;
	_ =	shalt  }
.Lfunc_end2:
_tile_overlayer_lowered:
.L_overlay_start_2:
0x6c: {  	(tag) =	ssettag $0x2  }
0x6d: {  	s0 =	rddreg [dreg:$0x0];
	s2 =	stileid.u32  }
0x6e: {  	s1 =	rddreg [dreg:$0x1];
	p0 =	sne.s32 s2, $0x0  }
0x6f: {  	s3 =	rddreg [dreg:$0x2];
	[bflag:$0x3] =	sbarrier.arrive $0xFFFF;
	s2 =	simm.s32 @!p0 $0x1C02  }
0x70: {  	[timem:s3], [sflag:s2] =	dma.local @!p0 [hbm:s0], s1  }
0x71: {  	s0 =	simm.s32 @!p0 $0x2  }
0x72: {  	_ =	swait.ge @!p0 [sflag:s0], s1  }
0x73: {  	s1 =	ssub.s32 @!p0 $0x0, s1;
	[sflag:s0] =	ssyncset.done @!p0 $0x0  }
0x74: {  	[sflag:s0] =	ssyncadd.s32 @!p0 s1  }
0x75: {  	[bflag:$0x3] =	sbarrier.arrive $0xFFFF  }
0x76: {  	_ =	shalt  }

// kernel: kernel.14.cloned.1.call-start
scs
__scs_entry_jumppad:
0x0: {  	(pc) =	sbr.rel $0x88, $3  }
0x1: {  	(tag) =	ssettag $0x0;
	lr =	simm.s32 $0x1  }
0x2: {  	[smem:$0x3F9B] =	sst lr;
	_ =	strace $0xD0000000  }
0x3: {  	_ = 	snop  }
0x4: {  	_ = 	snop  }
0x5: {  	_ = 	snop  }
0x6: {  	_ = 	snop  }
0x7: {  	_ = 	snop  }
__scs_overlays_trampoline_lowered:
0x8: {  	[smem:$0x3FAA] =	sst s0  }
0x9: {  	[smem:$0x3FAB] =	sst s1  }
0xa: {  	[smem:$0x3FAC] =	sst s2  }
0xb: {  	[smem:$0x3FAD] =	sst s3  }
0xc: {  	[smem:$0x3FAE] =	sst s4  }
0xd: {  	[smem:$0x3FAF] =	sst s5  }
0xe: {  	[smem:$0x3FB0] =	sst s6  }
0xf: {  	[smem:$0x3FB1] =	sst s7  }
0x10: {  	[smem:$0x3FB2] =	sst s8  }
0x11: {  	[smem:$0x3FB3] =	sst s9;
	s0 =	simm.s32 @!p0 $0x0  }
0x12: {  	s1 =	sld [smem:$0x3F99];
	s0 =	simm.s32 @p0 $0x1  }
0x13: {  	[smem:$0x3FB4] =	sst s0;
	s0 =	simm.s32 @!p1 $0x0  }
0x14: {  	s2 =	sld [smem:$0x3F98];
	s0 =	simm.s32 @p1 $0x1  }
0x15: {  	[smem:$0x3FB5] =	sst s0;
	s0 =	simm.s32 @!p2 $0x0  }
0x16: {  	s3 =	sld [smem:$0x3FDB];
	s0 =	simm.s32 @p2 $0x1  }
0x17: {  	s4 =	simm.s32 $0x1BF5;
	[smem:$0x3FB7] =	sst s0  }
0x18: {  	s0 =	sld [smem:$0x3F9A];
	_ =	swait.ge [sflag:s4], $0x0  }
0x19: {  	s7 =	sld [smem:$0x3F9B]  }
0x1a: {  	s8 =	sadd.s32 $0xFFFFE003, lr  }
0x1b: {  	s9 =	sadd.s32 $0xFFFFFEF7, lr;
	s5 =	simm.s32 $0xFFFFFFFF;
	p2 =	slt.u32 s8, $0xFFFFF086  }
0x1c: {  	p1 =	slt.u32 s9, $0xF7A;
	s5 =	simm.s32 @!p2 $0x0  }
0x1d: {  	s5 =	simm.s32 @p1 $0x1;
	p0 =	seq.s32 s7, s2  }
0x1e: {  	s7 =	smul.u32 @!p0 $0xF7A, s2;
	p2 =	seq.s32 @!p0 s5, $0x0  }
0x1f: {  	s9 =	smul.u32 $0xF7A, s1;
	s8 =	simm.s32 @!p0 $0x1BF5;
	p2 =	por !p2, p0  }
0x20: {  	[sflag:s8] =	ssyncset.s32 @!p0 $0xFFFFF086;
	s6 =	sadd.s32 @!p0 s3, s7;
	s7 =	simm.s32 @!p0 $0x108  }
0x21: {  	s3 =	sadd.s32 s3, s9;
	s6 =	sadd.s32 @!p0 $0x88, s6;
	s7 =	simm.s32 @p2 $0x1082  }
0x22: {  	[simem:s7], [sflag:s8] =	dma.local @!p0 [hbm:s6], $0xF7A  }
0x23: {  	s9 =	sor.u32 $0xD0000000, s2;
	s6 =	simm.s32 $0x108;
	_ =	swait.ge @!p0 [sflag:s8], $0x0  }
0x24: {  	s3 =	sadd.s32 $0x88, s3;
	s6 =	simm.s32 @!p1 $0x1082;
	[sflag:s4] =	ssyncset.s32 $0xFFFFF086  }
0x25: {  	[simem:s6], [sflag:s4] =	dma.local [hbm:s3], $0xF7A  }
0x26: {  	[smem:$0x3F9B] =	sst s1;
	(tag) =	ssettag s2;
	_ =	strace s9  }
0x27: {  	s1 =	sld [smem:$0x3FAB]  }
0x28: {  	s2 =	sld [smem:$0x3FAC]  }
0x29: {  	s4 =	sld [smem:$0x3FAE]  }
0x2a: {  	p0 =	seq.s32 s5, $0x0;
	s5 =	sld [smem:$0x3FAF]  }
0x2b: {  	s6 =	sld [smem:$0x3FB0]  }
0x2c: {  	s7 =	sld [smem:$0x3FB1]  }
0x2d: {  	s3 =	simm.s32 $0x108;
	s8 =	sld [smem:$0x3FB2]  }
0x2e: {  	s3 =	simm.s32 @!p0 $0x1082;
	s9 =	sld [smem:$0x3FB3]  }
0x2f: {  	lr =	sadd.s32 s0, s3;
	s0 =	sld [smem:$0x3FAA]  }
0x30: {  	s3 =	sld [smem:$0x3FAD]  }
0x31: {  	[smem:$0x3FB6] =	sst s10  }
0x32: {  	s10 =	sld [smem:$0x3FB4];
	_ =	sdelay $0x3  }
0x33: {  	p0 =	seq.s32 s10, $0x1;
	s10 =	sld [smem:$0x3FB6];
	_ =	sdelay $0x3  }
0x34: {  	[smem:$0x3FB6] =	sst s10  }
0x35: {  	s10 =	sld [smem:$0x3FB5];
	_ =	sdelay $0x3  }
0x36: {  	p1 =	seq.s32 s10, $0x1;
	s10 =	sld [smem:$0x3FB6];
	_ =	sdelay $0x3  }
0x37: {  	[smem:$0x3FB6] =	sst s10  }
0x38: {  	s10 =	sld [smem:$0x3FB7]  }
0x39: {  	_ = 	snop;
	(pc) =	sbr.ind lr, $3  }
0x3a: {  	_ = 	snop  }
0x3b: {  	_ = 	snop  }
0x3c: {  	p2 =	seq.s32 s10, $0x1;
	s10 =	sld [smem:$0x3FB6]  }
0x3d: {  	_ =	shalt  }
0x3e: {  	_ =	shalt  }
0x3f: {  	_ =	shalt  }
0x40: {  	_ =	shalt  }
0x41: {  	_ =	shalt  }
0x42: {  	_ =	shalt  }
0x43: {  	_ =	shalt  }
0x44: {  	_ =	shalt  }
0x45: {  	_ =	shalt  }
0x46: {  	_ =	shalt  }
0x47: {  	_ =	shalt  }
0x48: {  	_ =	shalt  }
0x49: {  	_ =	shalt  }
0x4a: {  	_ =	shalt  }
0x4b: {  	_ =	shalt  }
0x4c: {  	_ =	shalt  }
0x4d: {  	_ =	shalt  }
0x4e: {  	_ =	shalt  }
0x4f: {  	_ =	shalt  }
0x50: {  	_ =	shalt  }
0x51: {  	_ =	shalt  }
0x52: {  	_ =	shalt  }
0x53: {  	_ =	shalt  }
0x54: {  	_ =	shalt  }
0x55: {  	_ =	shalt  }
0x56: {  	_ =	shalt  }
0x57: {  	_ =	shalt  }
0x58: {  	_ =	shalt  }
0x59: {  	_ =	shalt  }
0x5a: {  	_ =	shalt  }
0x5b: {  	_ =	shalt  }
0x5c: {  	_ =	shalt  }
0x5d: {  	_ =	shalt  }
0x5e: {  	_ =	shalt  }
0x5f: {  	_ =	shalt  }
0x60: {  	_ =	shalt  }
0x61: {  	_ =	shalt  }
0x62: {  	_ =	shalt  }
0x63: {  	_ =	shalt  }
0x64: {  	_ =	shalt  }
0x65: {  	_ =	shalt  }
0x66: {  	_ =	shalt  }
0x67: {  	_ =	shalt  }
0x68: {  	_ =	shalt  }
0x69: {  	_ =	shalt  }
0x6a: {  	_ =	shalt  }
0x6b: {  	_ =	shalt  }
0x6c: {  	_ =	shalt  }
0x6d: {  	_ =	shalt  }
0x6e: {  	_ =	shalt  }
0x6f: {  	_ =	shalt  }
0x70: {  	_ =	shalt  }
0x71: {  	_ =	shalt  }
0x72: {  	_ =	shalt  }
0x73: {  	_ =	shalt  }
0x74: {  	_ =	shalt  }
0x75: {  	_ =	shalt  }
0x76: {  	_ =	shalt  }
0x77: {  	_ =	shalt  }
0x78: {  	_ =	shalt  }
0x79: {  	_ =	shalt  }
0x7a: {  	_ =	shalt  }
0x7b: {  	_ =	shalt  }
0x7c: {  	_ =	shalt  }
0x7d: {  	_ =	shalt  }
0x7e: {  	_ =	shalt  }
0x7f: {  	_ =	shalt  }
0x80: {  	_ =	shalt  }
0x81: {  	_ =	shalt  }
0x82: {  	_ =	shalt  }
0x83: {  	_ =	shalt  }
0x84: {  	_ =	shalt  }
0x85: {  	_ =	shalt  }
0x86: {  	_ =	shalt  }
0x87: {  	_ =	shalt  }
.Lfunc_end0:
.L_simem_size_0:
called_computation.2_lowered:
.L_overlay_start_0:
0x88: {  	s2 =	sld [smem:$0x3FD9]  }
0x89: {  	s3 =	sld [smem:$0x3FFE];
	_ =	sdelay $0x1  }
0x8a: {  	s1 =	srdreg.scid  }
0x8b: {  	s0 =	sand.u32 $0x1, s1  }
0x8c: {  	s17 =	sshll.u32 s0, $0xA;
	s2 =	sadd.s32 s3, s2  }
0x8d: {  	s2 =	sadd.s32 s2, s17  }
0x8e: {  	[smem:$0x3FC2] =	sst s2  }
0x8f: {  	_ = 	snop  }
0x90: {  	s2 =	sld [smem:$0x3FD0];
	(tm) =	ssettm $0x1  }
0x91: {  	s18 =	sld [smem:$0x3FFB];
	_ =	sdelay $0x3  }
0x92: {  	_ =	strace s18  }
0x93: {  	s3 =	sld [smem:$0x3FFC];
	_ =	sdelay $0x3  }
0x94: {  	_ =	strace s3  }
0x95: {  	s3 =	sld [smem:$0x3FFD];
	_ =	sdelay $0x3  }
0x96: {  	_ =	strace s3  }
0x97: {  	_ =	strace $0x8FFFFFFF  }
0x98: {  	s19 =	sld [smem:$0x3FDB];
	_ =	sdelay $0x1  }
0x99: {  	s4 =	simm.s32 $_scs_section_size  }
0x9a: {  	s5 =	simm.s32 $_size__tile_overlayer_lowered;
	s6 =	simm.s32 $_tile_overlayer_lowered  }
0x9b: {  	s22 =	simm.s32 $0x1BFF;
	s21 =	sshll.u32 s6, $0x1;
	s3 =	sadd.s32 s4, s19  }
0x9c: {  	s7 =	simm.s32 $0x0;
	s20 =	sshll.u32 s5, $0x1;
	s5 =	sadd.s32 s21, s3  }
0x9d: {  	[timem:s7], [sflag:s22] =	dma.local [hbm:s5], s20  }
0x9e: {  	_ =	swait.ge [sflag:s22], s20  }
0x9f: {  	s4 =	ssub.s32 $0x0, s20;
	[sflag:s22] =	ssyncset.done $0x0  }
0xa0: {  	[sflag:s22] =	ssyncadd.s32 s4;
	_ =	sdelay $0x1  }
0xa1: {  	s23 =	simm.s32 $0x1B8B  }
0xa2: {  	_ =	swait.ge [sflag:s23], $0x1  }
0xa3: {  	[sflag:s23] =	ssyncset.done $0x0  }
0xa4: {  	s25 =	simm.s32 $0x1B8E;
	s24 =	sld [smem:$0x3FFE];
	[sflag:s23] =	ssyncadd.s32 $0xFFFFFFFF  }
0xa5: {  	s26 =	simm.s32 $execute0_lowered;
	[smem:$0x3FD2] =	sst s25  }
0xa6: {  	s5 =	sshll.u32 s26, $0x1;
	_ =	strace $0x8000004C;
	[dreg:$0x1] =	wrdreg $0xFFFFFFFF  }
0xa7: {  	s28 =	simm.s32 $_size_execute0_lowered;
	s3 =	sadd.s32 s3, s5;
	[dreg:$0x0] =	wrdreg $0x0  }
0xa8: {  	s5 =	sshll.u32 s28, $0x1;
	[dreg:$0x2] =	wrdreg s3  }
0xa9: {  	[dreg:$0x3] =	wrdreg s5  }
0xaa: {  	[dreg:$0x4] =	wrdreg $0xC0  }
0xab: {  	_ =	task [dreg:s7], $0x5FFFF  }
0xac: {  	[dreg:$0x1] =	wrdreg $0xFFFFFFFF  }
0xad: {  	[dreg:$0x0] =	wrdreg $0x60  }
0xae: {  	[dreg:$0x2] =	wrdreg s2  }
0xaf: {  	[dreg:$0x3] =	wrdreg s24  }
0xb0: {  	[dreg:$0x4] =	wrdreg $0x41000  }
0xb1: {  	[dreg:$0x5] =	wrdreg $0x9  }
0xb2: {  	_ =	task.clear_ibuf [dreg:s7], $0x6FFFF;
	_ =	strace $0x9000004C  }
0xb3: {  	s29 =	simm.s32 $0x9;
	_ =	strace $0x8000004E  }
0xb4: {  	_ =	swait.ge [sflag:s29], $0x1  }
0xb5: {  	[sflag:s29] =	ssyncadd.s32 $0xFFFFFFFF  }
0xb6: {  	_ =	strace $0x9000004E  }
0xb7: {  	_ =	sfence  }
0xb8: {  	s30 =	sld [smem:$0x0];
	_ =	sdelay $0x2  }
0xb9: {  	s31 =	sshll.u32 s1, $0xD;
	s1 =	sshrl.u32 s1, $0x2  }
0xba: {  	s3 =	sand.u32 $0x4000, s31;
	s1 =	sadd.s32 s1, s30  }
0xbb: {  	s0 =	sor.u32 s3, s0;
	s1 =	sshll.u32 s1, $0x11  }
0xbc: {  	s0 =	sor.u32 s1, s0  }
0xbd: {  	s0 =	sadd.s32 $0x8F2B, s0  }
0xbe: {  	[sflag:s0] =	ssyncadd.remote.s32 $0x1  }
0xbf: {  	_ =	sfence.sel $0xFFFF  }
0xc0: {  	[dreg:$0x0] =	wrdreg $0xFFFFFFFF;
	(pc) =	sbr.abs _section_cstart, $3  }
0xc1: {  	[dreg:$0x1] =	wrdreg $0xFFFFFFFF  }
0xc2: {  	_ =	task.clear_ibuf [dreg:s7], $0x2FFFF;
	_ =	strace $0x9FFFFFFF  }
0xc3: {  	(tm) =	ssettm $0x7FFFFFFF  }
tec
execute0_lowered:
.L_overlay_start_1:
0x0: {  	(tag) =	ssettag $0x1  }
0x1: {  	s13 =	rddreg [dreg:$0x0]  }
0x2: {  	s5 =	rddreg [dreg:$0x1]  }
0x3: {  	s0 =	srdreg.scid;
	s2 =	stileid.u32  }
0x4: {  	s1 =	rddreg [dreg:$0x2];
	s3 =	simm.s32 $0x0;
	s7 =	smul.u32 $0x14000, s2  }
0x5: {  	s17 =	simm.s32 $0x1;
	s20 =	simm.s32 $0x0;
	s8 =	smul.u32 $0x50000, s2  }
0x6: {  	s6 =	sand.u32 $0x1, s0;
	s0 =	rddreg [dreg:$0x3];
	s15 =	smul.u32 $0x4F0, s2  }
0x7: {  	[smem:$0x7FF] =	sst s3;
	s18 =	sshll.u32 s2, $0x6;
	s14 =	smul.u32 $0x4F00, s6  }
0x8: {  	s4 =	smul.u32 $0x140000, s6;
	_ =	strace $0x8000004D;
	s6 =	ssub.s32 $0x2, s6  }
0x9: {  	s18 =	sor.u32 $0x1C02, s18;
	s30 =	sshrl.u32 s6, $0x1;
	s31 =	sshrl.u32 s8, $0x2  }
0xa: {  	s11 =	sadd.s32 s14, s5;
	s7 =	sadd.s32 s7, s4;
	s4 =	sadd.s32 $0xBC00, s5  }
0xb: {  	s12 =	ssub.s32 s6, s30;
	s13 =	sadd.s32 s14, s13;
	s14 =	simm.s32 $0x100  }
0xc: {  	s7 =	sshrl.u32 s7, $0x3;
	s16 =	sadd.s32 s15, s11;
	s11 =	smax.u32 s12, $0x1  }
0xd: {  	s13 =	sadd.s32 s15, s13;
	s15 =	simm.s32 $0x2;
	s10 =	sadd.s32 s7, s5  }
0xe: {  	s5 =	sadd.s32 s31, s1;
	s12 =	sadd.s32 $0x1E00, s16;
	s16 =	simm.s32 $0x80  }
0xf: {  	s6 =	sadd.s32 $0x4000, s5;
	s7 =	sadd.s32 $0x8000, s5;
	s8 =	sadd.s32 $0xC000, s5  }
0x10: {  	v0 =	vimm.f32 $0.0e+00;
	s9 =	sadd.s32 $0x10000, s5;
	s10 =	sadd.s32 $0x33C00, s10;
	s19 =	sshrl.u32 s5, $0x3  }
.LBB2_1:
0x11: {  	s21 =	sand.u32 $0xFE00, s3  }
0x12: {  	s22 =	sand.u32 $0x70, s3;
	s23 =	sshrl.u32 s21, $0x2  }
0x13: {  	s21 =	simm.s32 $0x40;
	s23 =	sor.u32 s22, s23;
	s22 =	simm.s32 $0x0  }
.LBB2_2:
0x14: {  	p0 =	sne.s32 s21, $0xFFC0  }
0x15: {  	[tilespmem:s23+$0x100] =	vst v0;
	s22 =	sadd.s32 $0x10, s22;
	s23 =	smov.u32 s21;
	s21 =	sadd.s32 $0x40, s21  }
.Ltmp0:
0x16: {  	(pc) =	sbr.rel @p0 .LBB2_2-.Ltmp0, $4  }
0x17: {  	_ = 	snop  }
0x18: {  	s23 =	sand.u32 $0xFE00, s23  }
0x19: {  	s24 =	sand.u32 $0x70, s22;
	s23 =	sshrl.u32 s23, $0x2  }
0x1a: {  	s23 =	sor.u32 s24, s23  }
0x1b: {  	[tilespmem:s23+$0x100] =	vst v0  }
0x1c: {  	[spmem:s5] =	stream.linear.scatter [tilespmem:s14], [sflag:$0x2], $0x4000, $0x38;
	[tilespmem:$0x18100] =	vst v63  }
0x1d: {  	_ =	swait.ge [sflag:s15], $0x4000  }
0x1e: {  	[sflag:s15] =	ssyncset.done $0x0  }
0x1f: {  	[sflag:s15] =	ssyncadd.s32 $0xFFFFC000  }
0x20: {  	[spmem:s6] =	stream.linear.scatter [tilespmem:s14], [sflag:$0x2], $0x4000, $0x38;
	[tilespmem:$0x18100] =	vst v63  }
0x21: {  	_ =	swait.ge [sflag:s15], $0x4000  }
0x22: {  	[sflag:s15] =	ssyncset.done $0x0  }
0x23: {  	[sflag:s15] =	ssyncadd.s32 $0xFFFFC000  }
0x24: {  	[spmem:s7] =	stream.linear.scatter [tilespmem:s14], [sflag:$0x2], $0x4000, $0x38;
	[tilespmem:$0x18100] =	vst v63  }
0x25: {  	_ =	swait.ge [sflag:s15], $0x4000  }
0x26: {  	[sflag:s15] =	ssyncset.done $0x0  }
0x27: {  	[sflag:s15] =	ssyncadd.s32 $0xFFFFC000  }
0x28: {  	[spmem:s8] =	stream.linear.scatter [tilespmem:s14], [sflag:$0x2], $0x4000, $0x38;
	[tilespmem:$0x18100] =	vst v63  }
0x29: {  	_ =	swait.ge [sflag:s15], $0x4000  }
0x2a: {  	[sflag:s15] =	ssyncset.done $0x0  }
0x2b: {  	[sflag:s15] =	ssyncadd.s32 $0xFFFFC000  }
0x2c: {  	[spmem:s9] =	stream.linear.scatter [tilespmem:s14], [sflag:$0x2], $0x4000, $0x38;
	[tilespmem:$0x18100] =	vst v63  }
0x2d: {  	_ =	swait.ge [sflag:s15], $0x4000  }
0x2e: {  	[sflag:s15] =	ssyncset.done $0x0  }
0x2f: {  	[sflag:s15] =	ssyncadd.s32 $0xFFFFC000  }
0x30: {  	s21 =	sadd.s32 $0x0, s13;
	[bflag:$0x0] =	sbarrier.arrive $0xFFFF  }
0x31: {  	[tilespmem:s3], [sflag:$0x2] =	stream.linear.gather [hbm4b:s21+s3], $0x80, $0x38;
	[tilespmem:$0x18100] =	vst v63  }
0x32: {  	_ =	swait.ge [sflag:s15], $0x80  }
0x33: {  	[sflag:s15] =	ssyncset.done $0x0  }
0x34: {  	s31 =	sadd.s32 $0x0, s12;
	[sflag:s15] =	ssyncadd.s32 $0xFFFFFF80  }
0x35: {  	[tilespmem:s16], [sflag:$0x2] =	stream.linear.gather [hbm4b:s31+s3], $0x80, $0x38;
	[tilespmem:$0x18100] =	vst v63  }
0x36: {  	_ =	swait.ge [sflag:s15], $0x80  }
0x37: {  	[sflag:s15] =	ssyncset.done $0x0  }
0x38: {  	[sflag:s15] =	ssyncadd.s32 $0xFFFFFF80  }
0x39: {  	[tilespmem:s14], [sflag:$0x1] =	stream.indirect.gather [hbm4b:s4+s16], $0x80, s3, s16, $0xb8;
	[tilespmem:$0x18100] =	vst v63  }
0x3a: {  	_ =	swait.ge [sflag:s17], $0x4000  }
0x3b: {  	[sflag:s17] =	ssyncset.done $0x0  }
0x3c: {  	[sflag:s17] =	ssyncadd.s32 $0xFFFFC000  }
0x3d: {  	[spmem:s1] =	stream.indirect.scatter.add.f32 [tilespmem:s14], [sflag:$0x2], $0x80, s16, s16, $0xb8;
	[tilespmem:$0x18100] =	vst v63  }
0x3e: {  	_ =	swait.ge [sflag:s15], $0x4000  }
0x3f: {  	s22 =	simm.s32 $0x20;
	s21 =	simm.s32 $0x10;
	[sflag:s15] =	ssyncset.done $0x0  }
.LBB2_4:
0x40: {  	s23 =	sadd.s32 s21, s13  }
0x41: {  	[sflag:s15] =	ssyncadd.s32 $0xFFFFC000;
	s24 =	smov.u32 s22;
	s25 =	sadd.s32 $0x10, s22  }
0x42: {  	[tilespmem:s3], [sflag:$0x2] =	stream.linear.gather [hbm4b:s23+s3], $0x80, $0x38;
	[tilespmem:$0x18100] =	vst v63  }
0x43: {  	p0 =	sne.s32 s22, $0x4E0;
	_ =	swait.ge [sflag:s15], $0x80  }
0x44: {  	[sflag:s15] =	ssyncset.done $0x0  }
0x45: {  	s22 =	sadd.s32 s21, s12;
	s21 =	smov.u32 s24;
	[sflag:s15] =	ssyncadd.s32 $0xFFFFFF80  }
0x46: {  	[tilespmem:s16], [sflag:$0x2] =	stream.linear.gather [hbm4b:s22+s3], $0x80, $0x38;
	[tilespmem:$0x18100] =	vst v63  }
0x47: {  	_ =	swait.ge [sflag:s15], $0x80  }
0x48: {  	[sflag:s15] =	ssyncset.done $0x0  }
0x49: {  	[sflag:s15] =	ssyncadd.s32 $0xFFFFFF80  }
0x4a: {  	[tilespmem:s14], [sflag:$0x1] =	stream.indirect.gather [hbm4b:s4+s16], $0x80, s3, s16, $0xb8;
	[tilespmem:$0x18100] =	vst v63  }
0x4b: {  	_ =	swait.ge [sflag:s17], $0x4000  }
.Ltmp1:
0x4c: {  	[sflag:s17] =	ssyncset.done $0x0;
	(pc) =	sbr.rel @p0 .LBB2_4-.Ltmp1, $4  }
0x4d: {  	[sflag:s17] =	ssyncadd.s32 $0xFFFFC000  }
0x4e: {  	[spmem:s1] =	stream.indirect.scatter.add.f32 [tilespmem:s14], [sflag:$0x2], $0x80, s16, s16, $0xb8;
	[tilespmem:$0x18100] =	vst v63  }
0x4f: {  	_ =	swait.ge [sflag:s15], $0x4000  }
0x50: {  	s22 =	smov.u32 s25;
	[sflag:s15] =	ssyncset.done $0x0  }
0x51: {  	s22 =	sadd.s32 s21, s13;
	[sflag:s15] =	ssyncadd.s32 $0xFFFFC000  }
0x52: {  	[tilespmem:s3], [sflag:$0x2] =	stream.linear.gather [hbm4b:s22+s3], $0x80, $0x38;
	[tilespmem:$0x18100] =	vst v63  }
0x53: {  	_ =	swait.ge [sflag:s15], $0x80  }
0x54: {  	[sflag:s15] =	ssyncset.done $0x0  }
0x55: {  	s31 =	sadd.s32 s21, s12;
	[sflag:s15] =	ssyncadd.s32 $0xFFFFFF80  }
0x56: {  	[tilespmem:s16], [sflag:$0x2] =	stream.linear.gather [hbm4b:s31+s3], $0x80, $0x38;
	[tilespmem:$0x18100] =	vst v63  }
0x57: {  	_ =	swait.ge [sflag:s15], $0x80  }
0x58: {  	[sflag:s15] =	ssyncset.done $0x0  }
0x59: {  	[sflag:s15] =	ssyncadd.s32 $0xFFFFFF80  }
0x5a: {  	[tilespmem:s14], [sflag:$0x1] =	stream.indirect.gather [hbm4b:s4+s16], $0x80, s3, s16, $0xb8;
	[tilespmem:$0x18100] =	vst v63  }
0x5b: {  	_ =	swait.ge [sflag:s17], $0x4000  }
0x5c: {  	[sflag:s17] =	ssyncset.done $0x0  }
0x5d: {  	[sflag:s17] =	ssyncadd.s32 $0xFFFFC000  }
0x5e: {  	[spmem:s1] =	stream.indirect.scatter.add.f32 [tilespmem:s14], [sflag:$0x2], $0x80, s16, s16, $0xb8;
	[tilespmem:$0x18100] =	vst v63  }
0x5f: {  	_ =	swait.ge [sflag:s15], $0x4000  }
0x60: {  	s20 =	sadd.s32 $0x1, s20;
	[sflag:s15] =	ssyncset.done $0x0  }
0x61: {  	p0 =	sne.s32 s20, s11;
	[sflag:s15] =	ssyncadd.s32 $0xFFFFC000  }
.Ltmp2:
0x62: {  	[bflag:$0x0] =	sbarrier.arrive $0xFFFF;
	(pc) =	sbr.rel @p0 .LBB2_1-.Ltmp2, $4  }
0x63: {  	[hbm:s10], [sflag:s18] =	dma.local [spmem:s19], $0x2800  }
0x64: {  	_ =	swait.ge [sflag:s15], $0x2800  }
0x65: {  	[sflag:s15] =	ssyncset.done $0x0  }
0x66: {  	[sflag:s15] =	ssyncadd.s32 $0xFFFFD800  }
0x67: {  	_ =	sfence.sel $0x180000  }
0x68: {  	[bflag:$0x0] =	sbarrier.arrive $0xFFFF  }
0x69: {  	p0 =	sne.s32 s2, $0x0;
	_ =	strace $0x9000004D  }
0x6a: {  	s0 =	sadd.s32 @!p0 $0x100000, s0;
	[bflag:$0x2] =	sbarrier.arrive $0xFFFF  }
0x6b: {  	[sflag:s0] =	ssyncadd.tile.s32 @!p0 $0x1;
	_ =	shalt  }
.Lfunc_end2:
_tile_overlayer_lowered:
.L_overlay_start_2:
0x6c: {  	(tag) =	ssettag $0x2  }
0x6d: {  	s0 =	rddreg [dreg:$0x0];
	s2 =	stileid.u32  }
0x6e: {  	s1 =	rddreg [dreg:$0x1];
	p0 =	sne.s32 s2, $0x0  }
0x6f: {  	s3 =	rddreg [dreg:$0x2];
	[bflag:$0x3] =	sbarrier.arrive $0xFFFF;
	s2 =	simm.s32 @!p0 $0x1C02  }
0x70: {  	[timem:s3], [sflag:s2] =	dma.local @!p0 [hbm:s0], s1  }
0x71: {  	s0 =	simm.s32 @!p0 $0x2  }
0x72: {  	_ =	swait.ge @!p0 [sflag:s0], s1  }
0x73: {  	s1 =	ssub.s32 @!p0 $0x0, s1;
	[sflag:s0] =	ssyncset.done @!p0 $0x0  }
0x74: {  	[sflag:s0] =	ssyncadd.s32 @!p0 s1  }
0x75: {  	[bflag:$0x3] =	sbarrier.arrive $0xFFFF  }
0x76: {  	_ =	shalt  }

// kernel: kernel.8.cloned.1.call-start
scs
__scs_entry_jumppad:
0x0: {  	(pc) =	sbr.rel $0x88, $3  }
0x1: {  	(tag) =	ssettag $0x0;
	lr =	simm.s32 $0x1  }
0x2: {  	[smem:$0x3F9B] =	sst lr;
	_ =	strace $0xD0000000  }
0x3: {  	_ = 	snop  }
0x4: {  	_ = 	snop  }
0x5: {  	_ = 	snop  }
0x6: {  	_ = 	snop  }
0x7: {  	_ = 	snop  }
__scs_overlays_trampoline_lowered:
0x8: {  	[smem:$0x3FAA] =	sst s0  }
0x9: {  	[smem:$0x3FAB] =	sst s1  }
0xa: {  	[smem:$0x3FAC] =	sst s2  }
0xb: {  	[smem:$0x3FAD] =	sst s3  }
0xc: {  	[smem:$0x3FAE] =	sst s4  }
0xd: {  	[smem:$0x3FAF] =	sst s5  }
0xe: {  	[smem:$0x3FB0] =	sst s6  }
0xf: {  	[smem:$0x3FB1] =	sst s7  }
0x10: {  	[smem:$0x3FB2] =	sst s8  }
0x11: {  	[smem:$0x3FB3] =	sst s9;
	s0 =	simm.s32 @!p0 $0x0  }
0x12: {  	s1 =	sld [smem:$0x3F99];
	s0 =	simm.s32 @p0 $0x1  }
0x13: {  	[smem:$0x3FB4] =	sst s0;
	s0 =	simm.s32 @!p1 $0x0  }
0x14: {  	s2 =	sld [smem:$0x3F98];
	s0 =	simm.s32 @p1 $0x1  }
0x15: {  	[smem:$0x3FB5] =	sst s0;
	s0 =	simm.s32 @!p2 $0x0  }
0x16: {  	s3 =	sld [smem:$0x3FDB];
	s0 =	simm.s32 @p2 $0x1  }
0x17: {  	s4 =	simm.s32 $0x1BF5;
	[smem:$0x3FB7] =	sst s0  }
0x18: {  	s0 =	sld [smem:$0x3F9A];
	_ =	swait.ge [sflag:s4], $0x0  }
0x19: {  	s7 =	sld [smem:$0x3F9B]  }
0x1a: {  	s8 =	sadd.s32 $0xFFFFE003, lr  }
0x1b: {  	s9 =	sadd.s32 $0xFFFFFEF7, lr;
	s5 =	simm.s32 $0xFFFFFFFF;
	p2 =	slt.u32 s8, $0xFFFFF086  }
0x1c: {  	p1 =	slt.u32 s9, $0xF7A;
	s5 =	simm.s32 @!p2 $0x0  }
0x1d: {  	s5 =	simm.s32 @p1 $0x1;
	p0 =	seq.s32 s7, s2  }
0x1e: {  	s7 =	smul.u32 @!p0 $0xF7A, s2;
	p2 =	seq.s32 @!p0 s5, $0x0  }
0x1f: {  	s9 =	smul.u32 $0xF7A, s1;
	s8 =	simm.s32 @!p0 $0x1BF5;
	p2 =	por !p2, p0  }
0x20: {  	[sflag:s8] =	ssyncset.s32 @!p0 $0xFFFFF086;
	s6 =	sadd.s32 @!p0 s3, s7;
	s7 =	simm.s32 @!p0 $0x108  }
0x21: {  	s3 =	sadd.s32 s3, s9;
	s6 =	sadd.s32 @!p0 $0x88, s6;
	s7 =	simm.s32 @p2 $0x1082  }
0x22: {  	[simem:s7], [sflag:s8] =	dma.local @!p0 [hbm:s6], $0xF7A  }
0x23: {  	s9 =	sor.u32 $0xD0000000, s2;
	s6 =	simm.s32 $0x108;
	_ =	swait.ge @!p0 [sflag:s8], $0x0  }
0x24: {  	s3 =	sadd.s32 $0x88, s3;
	s6 =	simm.s32 @!p1 $0x1082;
	[sflag:s4] =	ssyncset.s32 $0xFFFFF086  }
0x25: {  	[simem:s6], [sflag:s4] =	dma.local [hbm:s3], $0xF7A  }
0x26: {  	[smem:$0x3F9B] =	sst s1;
	(tag) =	ssettag s2;
	_ =	strace s9  }
0x27: {  	s1 =	sld [smem:$0x3FAB]  }
0x28: {  	s2 =	sld [smem:$0x3FAC]  }
0x29: {  	s4 =	sld [smem:$0x3FAE]  }
0x2a: {  	p0 =	seq.s32 s5, $0x0;
	s5 =	sld [smem:$0x3FAF]  }
0x2b: {  	s6 =	sld [smem:$0x3FB0]  }
0x2c: {  	s7 =	sld [smem:$0x3FB1]  }
0x2d: {  	s3 =	simm.s32 $0x108;
	s8 =	sld [smem:$0x3FB2]  }
0x2e: {  	s3 =	simm.s32 @!p0 $0x1082;
	s9 =	sld [smem:$0x3FB3]  }
0x2f: {  	lr =	sadd.s32 s0, s3;
	s0 =	sld [smem:$0x3FAA]  }
0x30: {  	s3 =	sld [smem:$0x3FAD]  }
0x31: {  	[smem:$0x3FB6] =	sst s10  }
0x32: {  	s10 =	sld [smem:$0x3FB4];
	_ =	sdelay $0x3  }
0x33: {  	p0 =	seq.s32 s10, $0x1;
	s10 =	sld [smem:$0x3FB6];
	_ =	sdelay $0x3  }
0x34: {  	[smem:$0x3FB6] =	sst s10  }
0x35: {  	s10 =	sld [smem:$0x3FB5];
	_ =	sdelay $0x3  }
0x36: {  	p1 =	seq.s32 s10, $0x1;
	s10 =	sld [smem:$0x3FB6];
	_ =	sdelay $0x3  }
0x37: {  	[smem:$0x3FB6] =	sst s10  }
0x38: {  	s10 =	sld [smem:$0x3FB7]  }
0x39: {  	_ = 	snop;
	(pc) =	sbr.ind lr, $3  }
0x3a: {  	_ = 	snop  }
0x3b: {  	_ = 	snop  }
0x3c: {  	p2 =	seq.s32 s10, $0x1;
	s10 =	sld [smem:$0x3FB6]  }
0x3d: {  	_ =	shalt  }
0x3e: {  	_ =	shalt  }
0x3f: {  	_ =	shalt  }
0x40: {  	_ =	shalt  }
0x41: {  	_ =	shalt  }
0x42: {  	_ =	shalt  }
0x43: {  	_ =	shalt  }
0x44: {  	_ =	shalt  }
0x45: {  	_ =	shalt  }
0x46: {  	_ =	shalt  }
0x47: {  	_ =	shalt  }
0x48: {  	_ =	shalt  }
0x49: {  	_ =	shalt  }
0x4a: {  	_ =	shalt  }
0x4b: {  	_ =	shalt  }
0x4c: {  	_ =	shalt  }
0x4d: {  	_ =	shalt  }
0x4e: {  	_ =	shalt  }
0x4f: {  	_ =	shalt  }
0x50: {  	_ =	shalt  }
0x51: {  	_ =	shalt  }
0x52: {  	_ =	shalt  }
0x53: {  	_ =	shalt  }
0x54: {  	_ =	shalt  }
0x55: {  	_ =	shalt  }
0x56: {  	_ =	shalt  }
0x57: {  	_ =	shalt  }
0x58: {  	_ =	shalt  }
0x59: {  	_ =	shalt  }
0x5a: {  	_ =	shalt  }
0x5b: {  	_ =	shalt  }
0x5c: {  	_ =	shalt  }
0x5d: {  	_ =	shalt  }
0x5e: {  	_ =	shalt  }
0x5f: {  	_ =	shalt  }
0x60: {  	_ =	shalt  }
0x61: {  	_ =	shalt  }
0x62: {  	_ =	shalt  }
0x63: {  	_ =	shalt  }
0x64: {  	_ =	shalt  }
0x65: {  	_ =	shalt  }
0x66: {  	_ =	shalt  }
0x67: {  	_ =	shalt  }
0x68: {  	_ =	shalt  }
0x69: {  	_ =	shalt  }
0x6a: {  	_ =	shalt  }
0x6b: {  	_ =	shalt  }
0x6c: {  	_ =	shalt  }
0x6d: {  	_ =	shalt  }
0x6e: {  	_ =	shalt  }
0x6f: {  	_ =	shalt  }
0x70: {  	_ =	shalt  }
0x71: {  	_ =	shalt  }
0x72: {  	_ =	shalt  }
0x73: {  	_ =	shalt  }
0x74: {  	_ =	shalt  }
0x75: {  	_ =	shalt  }
0x76: {  	_ =	shalt  }
0x77: {  	_ =	shalt  }
0x78: {  	_ =	shalt  }
0x79: {  	_ =	shalt  }
0x7a: {  	_ =	shalt  }
0x7b: {  	_ =	shalt  }
0x7c: {  	_ =	shalt  }
0x7d: {  	_ =	shalt  }
0x7e: {  	_ =	shalt  }
0x7f: {  	_ =	shalt  }
0x80: {  	_ =	shalt  }
0x81: {  	_ =	shalt  }
0x82: {  	_ =	shalt  }
0x83: {  	_ =	shalt  }
0x84: {  	_ =	shalt  }
0x85: {  	_ =	shalt  }
0x86: {  	_ =	shalt  }
0x87: {  	_ =	shalt  }
.Lfunc_end0:
.L_simem_size_0:
called_computation_lowered:
.L_overlay_start_0:
0x88: {  	s2 =	sld [smem:$0x3FD9]  }
0x89: {  	s3 =	sld [smem:$0x3FFE];
	_ =	sdelay $0x1  }
0x8a: {  	s1 =	srdreg.scid  }
0x8b: {  	s0 =	sand.u32 $0x1, s1  }
0x8c: {  	s16 =	sshll.u32 s0, $0xA;
	s2 =	sadd.s32 s3, s2  }
0x8d: {  	s2 =	sadd.s32 s2, s16  }
0x8e: {  	[smem:$0x3FC2] =	sst s2  }
0x8f: {  	_ = 	snop  }
0x90: {  	(tm) =	ssettm $0x1  }
0x91: {  	s17 =	sld [smem:$0x3FFB];
	_ =	sdelay $0x3  }
0x92: {  	_ =	strace s17  }
0x93: {  	s2 =	sld [smem:$0x3FFC];
	_ =	sdelay $0x3  }
0x94: {  	_ =	strace s2  }
0x95: {  	s2 =	sld [smem:$0x3FFD];
	_ =	sdelay $0x3  }
0x96: {  	_ =	strace s2  }
0x97: {  	_ =	strace $0x8FFFFFFF  }
0x98: {  	s18 =	sld [smem:$0x3FDB];
	_ =	sdelay $0x1  }
0x99: {  	s19 =	simm.s32 $_scs_section_size  }
0x9a: {  	s4 =	simm.s32 $_size__tile_overlayer_lowered;
	s5 =	simm.s32 $_tile_overlayer_lowered  }
0x9b: {  	s22 =	simm.s32 $0x1BFF;
	s21 =	sshll.u32 s5, $0x1;
	s2 =	sadd.s32 s19, s18  }
0x9c: {  	s6 =	simm.s32 $0x0;
	s20 =	sshll.u32 s4, $0x1;
	s4 =	sadd.s32 s21, s2  }
0x9d: {  	[timem:s6], [sflag:s22] =	dma.local [hbm:s4], s20  }
0x9e: {  	_ =	swait.ge [sflag:s22], s20  }
0x9f: {  	s3 =	ssub.s32 $0x0, s20;
	[sflag:s22] =	ssyncset.done $0x0  }
0xa0: {  	[sflag:s22] =	ssyncadd.s32 s3;
	_ =	sdelay $0x1  }
0xa1: {  	s23 =	simm.s32 $0x1B8B  }
0xa2: {  	_ =	swait.ge [sflag:s23], $0x1  }
0xa3: {  	[sflag:s23] =	ssyncset.done $0x0  }
0xa4: {  	s25 =	simm.s32 $0x1B8E;
	s24 =	sld [smem:$0x3FFE];
	[sflag:s23] =	ssyncadd.s32 $0xFFFFFFFF  }
0xa5: {  	s26 =	simm.s32 $execute0_lowered;
	[smem:$0x3FD2] =	sst s25  }
0xa6: {  	s4 =	sshll.u32 s26, $0x1;
	_ =	strace $0x80000046;
	[dreg:$0x1] =	wrdreg $0xFFFFFFFF  }
0xa7: {  	s28 =	simm.s32 $_size_execute0_lowered;
	s2 =	sadd.s32 s2, s4;
	[dreg:$0x0] =	wrdreg $0x0  }
0xa8: {  	s4 =	sshll.u32 s28, $0x1;
	[dreg:$0x2] =	wrdreg s2  }
0xa9: {  	[dreg:$0x3] =	wrdreg s4  }
0xaa: {  	[dreg:$0x4] =	wrdreg $0xC0  }
0xab: {  	_ =	task [dreg:s6], $0x5FFFF  }
0xac: {  	[dreg:$0x1] =	wrdreg $0xFFFFFFFF  }
0xad: {  	[dreg:$0x0] =	wrdreg $0x60  }
0xae: {  	[dreg:$0x2] =	wrdreg s24  }
0xaf: {  	[dreg:$0x3] =	wrdreg $0x40800  }
0xb0: {  	[dreg:$0x4] =	wrdreg $0x9  }
0xb1: {  	_ =	task.clear_ibuf [dreg:s6], $0x5FFFF;
	_ =	strace $0x90000046  }
0xb2: {  	s29 =	simm.s32 $0x9;
	_ =	strace $0x80000048  }
0xb3: {  	_ =	swait.ge [sflag:s29], $0x1  }
0xb4: {  	[sflag:s29] =	ssyncadd.s32 $0xFFFFFFFF  }
0xb5: {  	_ =	strace $0x90000048  }
0xb6: {  	_ =	sfence  }
0xb7: {  	s30 =	sld [smem:$0x0];
	_ =	sdelay $0x2  }
0xb8: {  	s31 =	sshll.u32 s1, $0xD;
	s1 =	sshrl.u32 s1, $0x2  }
0xb9: {  	s3 =	sand.u32 $0x4000, s31;
	s1 =	sadd.s32 s1, s30  }
0xba: {  	s0 =	sor.u32 s3, s0;
	s1 =	sshll.u32 s1, $0x11  }
0xbb: {  	s0 =	sor.u32 s1, s0  }
0xbc: {  	s0 =	sadd.s32 $0x8F2B, s0  }
0xbd: {  	[sflag:s0] =	ssyncadd.remote.s32 $0x1  }
0xbe: {  	_ =	sfence.sel $0xFFFF  }
0xbf: {  	[dreg:$0x0] =	wrdreg $0xFFFFFFFF;
	(pc) =	sbr.abs _section_cstart, $3  }
0xc0: {  	[dreg:$0x1] =	wrdreg $0xFFFFFFFF  }
0xc1: {  	_ =	task.clear_ibuf [dreg:s6], $0x2FFFF;
	_ =	strace $0x9FFFFFFF  }
0xc2: {  	(tm) =	ssettm $0x7FFFFFFF  }
0xc3: {  	_ =	shalt  }
tec
execute0_lowered:
.L_overlay_start_1:
0x0: {  	(tag) =	ssettag $0x1  }
0x1: {  	s4 =	rddreg [dreg:$0x0]  }
0x2: {  	s0 =	srdreg.scid;
	s2 =	rddreg [dreg:$0x1]  }
0x3: {  	s1 =	rddreg [dreg:$0x2];
	s5 =	sand.u32 $0x1, s0  }
0x4: {  	s0 =	stileid.u32;
	s6 =	smul.u32 $0x140000, s5  }
0x5: {  	s3 =	simm.s32 $0x0;
	s13 =	simm.s32 $0x1;
	s7 =	smul.u32 $0x14000, s0  }
0x6: {  	s16 =	simm.s32 $0x0;
	[smem:$0x7FF] =	sst s3;
	s8 =	smul.u32 $0x4F00, s5  }
0x7: {  	s29 =	smul.u32 $0x50000, s0;
	_ =	strace $0x80000047;
	s5 =	ssub.s32 $0x2, s5  }
0x8: {  	s11 =	smul.u32 $0x4F0, s0;
	s14 =	sshll.u32 s0, $0x6;
	s31 =	sshrl.u32 s5, $0x1  }
0x9: {  	s14 =	sor.u32 $0x1C01, s14;
	s6 =	sadd.s32 s7, s6;
	s9 =	sadd.s32 s8, s4  }
0xa: {  	s30 =	sshrl.u32 s29, $0x2;
	s12 =	ssub.s32 s5, s31;
	s6 =	sshrl.u32 s6, $0x3  }
0xb: {  	s11 =	sadd.s32 s11, s9;
	s10 =	sadd.s32 s6, s4;
	s4 =	sadd.s32 s30, s2  }
0xc: {  	s11 =	sadd.s32 $0x1E00, s11;
	s5 =	sadd.s32 $0x4000, s4;
	s6 =	sadd.s32 $0x8000, s4  }
0xd: {  	s7 =	sadd.s32 $0xC000, s4;
	s8 =	sadd.s32 $0x10000, s4;
	s9 =	sadd.s32 $0xBC00, s10  }
0xe: {  	v0 =	vimm.f32 $0.0e+00;
	v1 =	vimm.f32 $1.000000000e+00;
	s10 =	smax.u32 s12, $0x1;
	s12 =	simm.s32 $0x80;
	s15 =	sshrl.u32 s4, $0x3  }
.LBB2_1:
0xf: {  	s17 =	sand.u32 $0xFE00, s3  }
0x10: {  	s18 =	sand.u32 $0x70, s3;
	s19 =	sshrl.u32 s17, $0x2  }
0x11: {  	s17 =	simm.s32 $0x40;
	s19 =	sor.u32 s18, s19;
	s18 =	simm.s32 $0x0  }
.LBB2_2:
0x12: {  	p0 =	sne.s32 s17, $0xFFC0  }
0x13: {  	[tilespmem:s19+$0x80] =	vst v0;
	s18 =	sadd.s32 $0x10, s18;
	s19 =	smov.u32 s17;
	s17 =	sadd.s32 $0x40, s17  }
.Ltmp0:
0x14: {  	(pc) =	sbr.rel @p0 .LBB2_2-.Ltmp0, $4  }
0x15: {  	_ = 	snop  }
0x16: {  	s19 =	sand.u32 $0xFE00, s19  }
0x17: {  	s20 =	sand.u32 $0x70, s18;
	s19 =	sshrl.u32 s19, $0x2  }
0x18: {  	s19 =	sor.u32 s20, s19  }
0x19: {  	[tilespmem:s19+$0x80] =	vst v0  }
0x1a: {  	[spmem:s4] =	stream.linear.scatter [tilespmem:s12], [sflag:$0x1], $0x4000, $0x38;
	[tilespmem:$0x18080] =	vst v63  }
0x1b: {  	_ =	swait.ge [sflag:s13], $0x4000  }
0x1c: {  	[sflag:s13] =	ssyncset.done $0x0  }
0x1d: {  	[sflag:s13] =	ssyncadd.s32 $0xFFFFC000  }
0x1e: {  	[spmem:s5] =	stream.linear.scatter [tilespmem:s12], [sflag:$0x1], $0x4000, $0x38;
	[tilespmem:$0x18080] =	vst v63  }
0x1f: {  	_ =	swait.ge [sflag:s13], $0x4000  }
0x20: {  	[sflag:s13] =	ssyncset.done $0x0  }
0x21: {  	[sflag:s13] =	ssyncadd.s32 $0xFFFFC000  }
0x22: {  	[spmem:s6] =	stream.linear.scatter [tilespmem:s12], [sflag:$0x1], $0x4000, $0x38;
	[tilespmem:$0x18080] =	vst v63  }
0x23: {  	_ =	swait.ge [sflag:s13], $0x4000  }
0x24: {  	[sflag:s13] =	ssyncset.done $0x0  }
0x25: {  	[sflag:s13] =	ssyncadd.s32 $0xFFFFC000  }
0x26: {  	[spmem:s7] =	stream.linear.scatter [tilespmem:s12], [sflag:$0x1], $0x4000, $0x38;
	[tilespmem:$0x18080] =	vst v63  }
0x27: {  	_ =	swait.ge [sflag:s13], $0x4000  }
0x28: {  	[sflag:s13] =	ssyncset.done $0x0  }
0x29: {  	s17 =	simm.s32 $0x0;
	[sflag:s13] =	ssyncadd.s32 $0xFFFFC000  }
0x2a: {  	[spmem:s8] =	stream.linear.scatter [tilespmem:s12], [sflag:$0x1], $0x4000, $0x38;
	[tilespmem:$0x18080] =	vst v63  }
0x2b: {  	s18 =	sand.u32 $0xFE00, s17;
	_ =	swait.ge [sflag:s13], $0x4000  }
0x2c: {  	s31 =	sand.u32 $0x70, s17;
	s20 =	sshrl.u32 s18, $0x2;
	[sflag:s13] =	ssyncset.done $0x0  }
0x2d: {  	s18 =	simm.s32 $0x40;
	s19 =	sor.u32 s31, s20;
	[sflag:s13] =	ssyncadd.s32 $0xFFFFC000  }
.LBB2_4:
0x2e: {  	p0 =	sne.s32 s18, $0xFFC0  }
0x2f: {  	[tilespmem:s19+$0x80] =	vst v1;
	s17 =	sadd.s32 $0x10, s17;
	s19 =	smov.u32 s18;
	s18 =	sadd.s32 $0x40, s18  }
.Ltmp1:
0x30: {  	(pc) =	sbr.rel @p0 .LBB2_4-.Ltmp1, $4  }
0x31: {  	_ = 	snop  }
0x32: {  	s19 =	sand.u32 $0xFE00, s19  }
0x33: {  	s20 =	sand.u32 $0x70, s17;
	s19 =	sshrl.u32 s19, $0x2  }
0x34: {  	s19 =	sor.u32 s20, s19  }
0x35: {  	[tilespmem:s19+$0x80] =	vst v1  }
0x36: {  	s17 =	sadd.s32 $0x0, s11;
	[bflag:$0x0] =	sbarrier.arrive $0xFFFF  }
0x37: {  	[tilespmem:s3], [sflag:$0x1] =	stream.linear.gather [hbm4b:s17+s3], $0x80, $0x38;
	[tilespmem:$0x18080] =	vst v63  }
0x38: {  	_ =	swait.ge [sflag:s13], $0x80  }
0x39: {  	[sflag:s13] =	ssyncset.done $0x0  }
0x3a: {  	[sflag:s13] =	ssyncadd.s32 $0xFFFFFF80  }
0x3b: {  	[spmem:s2] =	stream.indirect.scatter.add.f32 [tilespmem:s12], [sflag:$0x1], $0x80, s3, s12, $0xb8;
	[tilespmem:$0x18080] =	vst v63  }
0x3c: {  	_ =	swait.ge [sflag:s13], $0x4000  }
0x3d: {  	s18 =	simm.s32 $0x20;
	s17 =	simm.s32 $0x10;
	[sflag:s13] =	ssyncset.done $0x0  }
.LBB2_6:
0x3e: {  	s19 =	sadd.s32 s17, s11  }
0x3f: {  	[sflag:s13] =	ssyncadd.s32 $0xFFFFC000;
	s17 =	smov.u32 s18;
	s20 =	sadd.s32 $0x10, s18  }
0x40: {  	[tilespmem:s3], [sflag:$0x1] =	stream.linear.gather [hbm4b:s19+s3], $0x80, $0x38;
	[tilespmem:$0x18080] =	vst v63  }
0x41: {  	p0 =	sne.s32 s18, $0x4E0;
	_ =	swait.ge [sflag:s13], $0x80  }
.Ltmp2:
0x42: {  	[sflag:s13] =	ssyncset.done $0x0;
	(pc) =	sbr.rel @p0 .LBB2_6-.Ltmp2, $4  }
0x43: {  	[sflag:s13] =	ssyncadd.s32 $0xFFFFFF80  }
0x44: {  	[spmem:s2] =	stream.indirect.scatter.add.f32 [tilespmem:s12], [sflag:$0x1], $0x80, s3, s12, $0xb8;
	[tilespmem:$0x18080] =	vst v63  }
0x45: {  	_ =	swait.ge [sflag:s13], $0x4000  }
0x46: {  	s18 =	smov.u32 s20;
	[sflag:s13] =	ssyncset.done $0x0  }
0x47: {  	s17 =	sadd.s32 s17, s11;
	[sflag:s13] =	ssyncadd.s32 $0xFFFFC000  }
0x48: {  	[tilespmem:s3], [sflag:$0x1] =	stream.linear.gather [hbm4b:s17+s3], $0x80, $0x38;
	[tilespmem:$0x18080] =	vst v63  }
0x49: {  	_ =	swait.ge [sflag:s13], $0x80  }
0x4a: {  	[sflag:s13] =	ssyncset.done $0x0  }
0x4b: {  	[sflag:s13] =	ssyncadd.s32 $0xFFFFFF80  }
0x4c: {  	[spmem:s2] =	stream.indirect.scatter.add.f32 [tilespmem:s12], [sflag:$0x1], $0x80, s3, s12, $0xb8;
	[tilespmem:$0x18080] =	vst v63  }
0x4d: {  	_ =	swait.ge [sflag:s13], $0x4000  }
0x4e: {  	s16 =	sadd.s32 $0x1, s16;
	[sflag:s13] =	ssyncset.done $0x0  }
0x4f: {  	p0 =	sne.s32 s16, s10;
	[sflag:s13] =	ssyncadd.s32 $0xFFFFC000  }
.Ltmp3:
0x50: {  	[bflag:$0x0] =	sbarrier.arrive $0xFFFF;
	(pc) =	sbr.rel @p0 .LBB2_1-.Ltmp3, $4  }
0x51: {  	[hbm:s9], [sflag:s14] =	dma.local [spmem:s15], $0x2800  }
0x52: {  	_ =	swait.ge [sflag:s13], $0x2800  }
0x53: {  	[sflag:s13] =	ssyncset.done $0x0  }
0x54: {  	[sflag:s13] =	ssyncadd.s32 $0xFFFFD800  }
0x55: {  	_ =	sfence.sel $0x180000  }
0x56: {  	[bflag:$0x0] =	sbarrier.arrive $0xFFFF  }
0x57: {  	p0 =	sne.s32 s0, $0x0;
	_ =	strace $0x90000047  }
0x58: {  	s0 =	sadd.s32 @!p0 $0x100000, s1;
	[bflag:$0x2] =	sbarrier.arrive $0xFFFF  }
0x59: {  	[sflag:s0] =	ssyncadd.tile.s32 @!p0 $0x1;
	_ =	shalt  }
.Lfunc_end2:
_tile_overlayer_lowered:
.L_overlay_start_2:
0x5a: {  	(tag) =	ssettag $0x2  }
0x5b: {  	s0 =	rddreg [dreg:$0x0];
	s2 =	stileid.u32  }
0x5c: {  	s1 =	rddreg [dreg:$0x1];
	p0 =	sne.s32 s2, $0x0  }
0x5d: {  	s3 =	rddreg [dreg:$0x2];
	[bflag:$0x3] =	sbarrier.arrive $0xFFFF;
	s2 =	simm.s32 @!p0 $0x1C01  }
0x5e: {  	[timem:s3], [sflag:s2] =	dma.local @!p0 [hbm:s0], s1  }
0x5f: {  	s0 =	simm.s32 @!p0 $0x1  }
0x60: {  	_ =	swait.ge @!p0 [sflag:s0], s1  }
0x61: {  	s1 =	ssub.s32 @!p0 $0x0, s1;
	[sflag:s0] =	ssyncset.done @!p0 $0x0  }
0x62: {  	[sflag:s0] =	ssyncadd.s32 @!p0 s1  }
0x63: {  	[bflag:$0x3] =	sbarrier.arrive $0xFFFF  }
0x64: {  	_ =	shalt  }

</sc_bundles>
